<compile_context>
chip_gen: v7x
topology: tpu7x:2x2x1
jax: 0.10.2.dev20260603
libtpu: 0.0.44.dev20260713+nightly
codegen_flags: <defaults>
</compile_context>

<pallas_src>
import dataclasses
import functools

import jax
import jax.numpy as jnp
from jax import lax
from jax.experimental import pallas as pl
from jax.experimental.pallas import tpu as pltpu
from jax.experimental.pallas import tpu_sc as plsc

VOCAB = 1000000
D = 64
B = 4096
S = 200
EPS = 1e-5

CHUNK = 128
NBUF = 2
NOUT = 2
N_WORKERS = 32
TOTAL_ROWS = B * S
N_CHUNKS = TOTAL_ROWS // CHUNK
CHUNKS_PER_W = N_CHUNKS // N_WORKERS
UNROLL = 4


def _rsqrt_nr(x16):
    i = plsc.bitcast(x16, jnp.int32)
    y = plsc.bitcast(jnp.int32(0x5F3759DF) - (i >> 1), jnp.float32)
    y = y * (1.5 - 0.5 * x16 * y * y)
    y = y * (1.5 - 0.5 * x16 * y * y)
    return y


def _ln_rows(rin, rout, gvecs, bvecs):

    @pl.loop(0, CHUNK, step=UNROLL)
    def _(r0):
        for dr in range(UNROLL):
            r = r0 + dr
            vs = [rin[r, pl.ds(16 * q, 16)] for q in range(4)]
            sv = (vs[0] + vs[1]) + (vs[2] + vs[3])
            qv = (vs[0] * vs[0] + vs[1] * vs[1]) + (vs[2] * vs[2] + vs[3] * vs[3])
            tot = jnp.sum(sv)
            qtot = jnp.sum(qv)
            mean = tot * (1.0 / 64.0)
            var = qtot * (1.0 / 64.0) - mean * mean
            xv = jnp.broadcast_to(var + EPS, (16,))
            rstd = _rsqrt_nr(xv)
            for q in range(4):
                outv = (vs[q] - mean) * rstd * gvecs[q] + bvecs[q]
                rout[r, pl.ds(16 * q, 16)] = outv


def _sc_embed_ln(tok2d, table, gamma, beta):
    mesh = plsc.VectorSubcoreMesh(core_axis_name="c", subcore_axis_name="s")
    cp = pltpu.CompilerParams()
    for fld, val in (("needs_layout_passes", False),
                     ("use_tc_tiling_on_sc", False)):
        if fld in pltpu.CompilerParams.__dataclass_fields__:
            cp = dataclasses.replace(cp, **{fld: val})

    @functools.partial(
        pl.kernel,
        mesh=mesh,
        compiler_params=cp,
        out_type=jax.ShapeDtypeStruct((TOTAL_ROWS, 2 * D), jnp.float32),
        scratch_types=(
            [pltpu.VMEM((CHUNKS_PER_W, CHUNK), jnp.int32)]
            + [pltpu.VMEM((CHUNK, 2 * D), jnp.float32)
               for _ in range(NBUF + NOUT)]
            + [pltpu.VMEM((D,), jnp.float32) for _ in range(2)]
            + [pltpu.SemaphoreType.DMA for _ in range(NBUF + NOUT)]
        ),
    )
    def k(tok_hbm, table_hbm, gamma_hbm, beta_hbm, out_hbm, *scratch):
        idx_v = scratch[0]
        rin = list(scratch[1:1 + NBUF])
        rout = list(scratch[1 + NBUF:1 + NBUF + NOUT])
        gamma_v, beta_v = scratch[1 + NBUF + NOUT:3 + NBUF + NOUT]
        gsem = list(scratch[3 + NBUF + NOUT:3 + 2 * NBUF + NOUT])
        osem = list(scratch[3 + 2 * NBUF + NOUT:])

        wid = lax.axis_index("c") * 16 + lax.axis_index("s")
        base_chunk = wid * CHUNKS_PER_W

        pltpu.sync_copy(tok_hbm.at[pl.ds(base_chunk, CHUNKS_PER_W)], idx_v)
        pltpu.sync_copy(gamma_hbm, gamma_v)
        pltpu.sync_copy(beta_hbm, beta_v)
        gvecs = [gamma_v[pl.ds(16 * q, 16)] for q in range(4)]
        bvecs = [beta_v[pl.ds(16 * q, 16)] for q in range(4)]

        for b in range(NBUF):
            pltpu.async_copy(table_hbm.at[idx_v.at[b]], rin[b], gsem[b])

        @pl.loop(0, CHUNKS_PER_W, step=NBUF)
        def _(s0):
            for b in range(NBUF):
                s = s0 + b
                o = b % NOUT

                pltpu.make_async_copy(
                    table_hbm.at[idx_v.at[s]], rin[b], gsem[b]
                ).wait()

                @pl.when(s >= NOUT)
                def _():
                    pltpu.make_async_copy(
                        rout[o], out_hbm.at[pl.ds(0, CHUNK)], osem[o]
                    ).wait()

                _ln_rows(rin[b], rout[o], gvecs, bvecs)

                pltpu.async_copy(
                    rout[o],
                    out_hbm.at[pl.ds((base_chunk + s) * CHUNK, CHUNK)],
                    osem[o],
                )

                @pl.when(s + NBUF < CHUNKS_PER_W)
                def _():
                    pltpu.async_copy(
                        table_hbm.at[idx_v.at[s + NBUF]], rin[b], gsem[b]
                    )

        for o in range(NOUT):
            pltpu.make_async_copy(
                rout[o], out_hbm.at[pl.ds(0, CHUNK)], osem[o]
            ).wait()

    return k(tok2d, table, gamma, beta)


def kernel(token_ids, table, gamma, beta):
    tok2d = jnp.reshape(token_ids, (N_CHUNKS, CHUNK)).astype(jnp.int32)
    tblp = jnp.concatenate([table, table], axis=1)
    out = _sc_embed_ln(tok2d, tblp, gamma, beta)
    return jnp.reshape(out[:, :D], (B, S, D))

# --- scband reference (transcript-rebuilt; emitter-appended) ---
"""Pipeline reference for scband-ali-bi-embedder-84911503442280 (READ-ONLY COPY).

The authoritative reference and input builder live on the scoring server;
editing this copy changes nothing except your own understanding.
"""

import jax, jax.numpy as jnp
import numpy as np

VOCAB = 1000000
EMBED_DIM = 64
BATCH = 4096
SEQ = 200
EPS = 1e-5


def setup_inputs(seed: int = 0) -> dict:
    key = jax.random.key(seed)
    k1, k2 = jax.random.split(key)
    token_ids = jax.random.randint(k1, (BATCH, SEQ), 0, VOCAB, dtype=jnp.int64) if jax.config.jax_enable_x64 else jax.random.randint(k1, (BATCH, SEQ), 0, VOCAB, dtype=jnp.int32)
    table = jax.random.normal(k2, (VOCAB, EMBED_DIM), dtype=jnp.float32) * 0.02
    table = table.at[0].set(0.0)  # padding_idx=0 row is zeros
    gamma = jnp.ones((EMBED_DIM,), dtype=jnp.float32)
    beta = jnp.zeros((EMBED_DIM,), dtype=jnp.float32)
    return {"token_ids": token_ids, "table": table, "gamma": gamma, "beta": beta}


def reference(token_ids, table, gamma, beta):
    # nn.Embedding(vocab, dim, padding_idx=0) -> gather
    emb = jnp.take(table, token_ids, axis=0)  # (B, S, D)
    # nn.LayerNorm(embed_dim), eps=1e-5, elementwise affine
    mean = jnp.mean(emb, axis=-1, keepdims=True)
    var = jnp.mean((emb - mean) ** 2, axis=-1, keepdims=True)
    normed = (emb - mean) / jnp.sqrt(var + EPS)
    out = normed * gamma + beta
    # dropout p=0.0 -> identity
    return out

if __name__ == "__main__":
    import jax
    _d = setup_inputs()
    print(jax.jit(kernel)(*tuple(_d.values())))

</pallas_src>

<mosaic_0001>
#map = affine_map<(d0, d1) -> (0, 0)>
#map1 = affine_map<(d0, d1) -> (0)>
module attributes {stable_mosaic.version = 14 : i64} {
  func.func @k(%arg0: i32, %arg1: i32, %arg2: memref<6400x128xi32, #tpu.memory_space<hbm>>, %arg3: memref<1000000x128xf32, #tpu.memory_space<hbm>>, %arg4: memref<64xf32, #tpu.memory_space<hbm>>, %arg5: memref<64xf32, #tpu.memory_space<hbm>>, %arg6: memref<819200x128xf32, #tpu.memory_space<hbm>>, %arg7: memref<200x128xi32, #tpu.memory_space<vmem>>, %arg8: memref<128x128xf32, #tpu.memory_space<vmem>>, %arg9: memref<128x128xf32, #tpu.memory_space<vmem>>, %arg10: memref<128x128xf32, #tpu.memory_space<vmem>>, %arg11: memref<128x128xf32, #tpu.memory_space<vmem>>, %arg12: memref<64xf32, #tpu.memory_space<vmem>>, %arg13: memref<64xf32, #tpu.memory_space<vmem>>, %arg14: memref<!tpu.dma_semaphore, #tpu.memory_space<semaphore_mem>>, %arg15: memref<!tpu.dma_semaphore, #tpu.memory_space<semaphore_mem>>, %arg16: memref<!tpu.dma_semaphore, #tpu.memory_space<semaphore_mem>>, %arg17: memref<!tpu.dma_semaphore, #tpu.memory_space<semaphore_mem>>) attributes {dimension_semantics = [#tpu.dimension_semantics<core_parallel>, #tpu.dimension_semantics<subcore_parallel>], iteration_bounds = array<i64: 2, 16>, scalar_prefetch = 0 : i64, scratch_operands = 11 : i64, tpu.core_type = #tpu.core_type<sc_vector_subcore>, window_params = [{transform_indices = #map}, {transform_indices = #map}, {transform_indices = #map1}, {transform_indices = #map1}, {transform_indices = #map}]} {
    %mul3A = arith.constant 16 : i32
    %mul3A_0 = arith.muli %arg0, %mul3A : i32
    %add3A = arith.addi %mul3A_0, %arg1 : i32
    %mul3A_1 = arith.constant 200 : i32
    %mul3A_2 = arith.muli %add3A, %mul3A_1 : i32
    "tpu.region"() ({
      %run_scoped3A = tpu.sem_alloc : memref<!tpu.dma_semaphore, #tpu.memory_space<semaphore_mem>>
      %dma_start3A_46 = arith.constant 0 : i32
      %dma_start3A_47 = tpu.memref_slice %arg2[%mul3A_2, %dma_start3A_46] : memref<6400x128xi32, #tpu.memory_space<hbm>> -> memref<200x128xi32, #tpu.memory_space<hbm>>
      %dma_start3A_48 = arith.constant 0 : i32
      %dma_start3A_49 = tpu.memref_slice %arg2[%mul3A_2, %dma_start3A_48] : memref<6400x128xi32, #tpu.memory_space<hbm>> -> memref<200x128xi32, #tpu.memory_space<hbm>>
      tpu.enqueue_dma source(%dma_start3A_49 : memref<200x128xi32, #tpu.memory_space<hbm>>) target(%arg7 : memref<200x128xi32, #tpu.memory_space<vmem>>) target_semaphore(%run_scoped3A : memref<!tpu.dma_semaphore, #tpu.memory_space<semaphore_mem>>)
      %dma_wait3A_50 = arith.constant 0 : i32
      %dma_wait3A_51 = tpu.memref_slice %arg2[%mul3A_2, %dma_wait3A_50] : memref<6400x128xi32, #tpu.memory_space<hbm>> -> memref<200x128xi32, #tpu.memory_space<hbm>>
      %dma_wait3A_52 = arith.constant 0 : i32
      %dma_wait3A_53 = tpu.memref_slice %arg2[%mul3A_2, %dma_wait3A_52] : memref<6400x128xi32, #tpu.memory_space<hbm>> -> memref<200x128xi32, #tpu.memory_space<hbm>>
      tpu.wait_dma2 semaphore(%run_scoped3A : memref<!tpu.dma_semaphore, #tpu.memory_space<semaphore_mem>>) src(%dma_wait3A_53 : memref<200x128xi32, #tpu.memory_space<hbm>>) dst(%arg7 : memref<200x128xi32, #tpu.memory_space<vmem>>)
      tpu.yield
    }) : () -> ()
    "tpu.region"() ({
      %run_scoped3A = tpu.sem_alloc : memref<!tpu.dma_semaphore, #tpu.memory_space<semaphore_mem>>
      tpu.enqueue_dma source(%arg4 : memref<64xf32, #tpu.memory_space<hbm>>) target(%arg12 : memref<64xf32, #tpu.memory_space<vmem>>) target_semaphore(%run_scoped3A : memref<!tpu.dma_semaphore, #tpu.memory_space<semaphore_mem>>)
      tpu.wait_dma2 semaphore(%run_scoped3A : memref<!tpu.dma_semaphore, #tpu.memory_space<semaphore_mem>>) src(%arg4 : memref<64xf32, #tpu.memory_space<hbm>>) dst(%arg12 : memref<64xf32, #tpu.memory_space<vmem>>)
      tpu.yield
    }) : () -> ()
    "tpu.region"() ({
      %run_scoped3A = tpu.sem_alloc : memref<!tpu.dma_semaphore, #tpu.memory_space<semaphore_mem>>
      tpu.enqueue_dma source(%arg5 : memref<64xf32, #tpu.memory_space<hbm>>) target(%arg13 : memref<64xf32, #tpu.memory_space<vmem>>) target_semaphore(%run_scoped3A : memref<!tpu.dma_semaphore, #tpu.memory_space<semaphore_mem>>)
      tpu.wait_dma2 semaphore(%run_scoped3A : memref<!tpu.dma_semaphore, #tpu.memory_space<semaphore_mem>>) src(%arg5 : memref<64xf32, #tpu.memory_space<hbm>>) dst(%arg13 : memref<64xf32, #tpu.memory_space<vmem>>)
      tpu.yield
    }) : () -> ()
    %get3A = arith.constant 0 : index
    %get3A_3 = tpu.vector_load %arg12[%get3A] {strides = array<i32>} : memref<64xf32, #tpu.memory_space<vmem>>, vector<16xf32>,
    %get3A_4 = arith.constant 16 : index
    %get3A_5 = tpu.vector_load %arg12[%get3A_4] {strides = array<i32>} : memref<64xf32, #tpu.memory_space<vmem>>, vector<16xf32>,
    %get3A_6 = arith.constant 32 : index
    %get3A_7 = tpu.vector_load %arg12[%get3A_6] {strides = array<i32>} : memref<64xf32, #tpu.memory_space<vmem>>, vector<16xf32>,
    %get3A_8 = arith.constant 48 : index
    %get3A_9 = tpu.vector_load %arg12[%get3A_8] {strides = array<i32>} : memref<64xf32, #tpu.memory_space<vmem>>, vector<16xf32>,
    %get3A_10 = arith.constant 0 : index
    %get3A_11 = tpu.vector_load %arg13[%get3A_10] {strides = array<i32>} : memref<64xf32, #tpu.memory_space<vmem>>, vector<16xf32>,
    %get3A_12 = arith.constant 16 : index
    %get3A_13 = tpu.vector_load %arg13[%get3A_12] {strides = array<i32>} : memref<64xf32, #tpu.memory_space<vmem>>, vector<16xf32>,
    %get3A_14 = arith.constant 32 : index
    %get3A_15 = tpu.vector_load %arg13[%get3A_14] {strides = array<i32>} : memref<64xf32, #tpu.memory_space<vmem>>, vector<16xf32>,
    %get3A_16 = arith.constant 48 : index
    %get3A_17 = tpu.vector_load %arg13[%get3A_16] {strides = array<i32>} : memref<64xf32, #tpu.memory_space<vmem>>, vector<16xf32>,
    %dma_start3A = arith.constant 0 : i32
    %dma_start3A_18 = arith.constant 0 : i32
    %dma_start3A_19 = tpu.memref_slice %arg7[%dma_start3A, %dma_start3A_18] : memref<200x128xi32, #tpu.memory_space<vmem>> -> memref<1x128xi32, #tpu.memory_space<vmem>>
    %dma_start3A_20 = tpu.memref_squeeze %dma_start3A_19 : memref<1x128xi32, #tpu.memory_space<vmem>> -> memref<128xi32, #tpu.memory_space<vmem>>
    %dma_start3A_21 = arith.constant 0 : i32
    %dma_start3A_22 = arith.constant 0 : i32
    %dma_start3A_23 = tpu.memref_slice %arg3[%dma_start3A_21, %dma_start3A_22] : memref<1000000x128xf32, #tpu.memory_space<hbm>> -> memref<1000000x128xf32, #tpu.memory_space<hbm>>
    tpu.enqueue_indirect_dma source(%dma_start3A_23 : memref<1000000x128xf32, #tpu.memory_space<hbm>>) target(%arg8 : memref<128x128xf32, #tpu.memory_space<vmem>>) offsets(%dma_start3A_20 : memref<128xi32, #tpu.memory_space<vmem>>) semaphore(%arg14 : memref<!tpu.dma_semaphore, #tpu.memory_space<semaphore_mem>>)
    %dma_start3A_24 = arith.constant 1 : i32
    %dma_start3A_25 = arith.constant 0 : i32
    %dma_start3A_26 = tpu.memref_slice %arg7[%dma_start3A_24, %dma_start3A_25] : memref<200x128xi32, #tpu.memory_space<vmem>> -> memref<1x128xi32, #tpu.memory_space<vmem>>
    %dma_start3A_27 = tpu.memref_squeeze %dma_start3A_26 : memref<1x128xi32, #tpu.memory_space<vmem>> -> memref<128xi32, #tpu.memory_space<vmem>>
    %dma_start3A_28 = arith.constant 0 : i32
    %dma_start3A_29 = arith.constant 0 : i32
    %dma_start3A_30 = tpu.memref_slice %arg3[%dma_start3A_28, %dma_start3A_29] : memref<1000000x128xf32, #tpu.memory_space<hbm>> -> memref<1000000x128xf32, #tpu.memory_space<hbm>>
    tpu.enqueue_indirect_dma source(%dma_start3A_30 : memref<1000000x128xf32, #tpu.memory_space<hbm>>) target(%arg9 : memref<128x128xf32, #tpu.memory_space<vmem>>) offsets(%dma_start3A_27 : memref<128xi32, #tpu.memory_space<vmem>>) semaphore(%arg15 : memref<!tpu.dma_semaphore, #tpu.memory_space<semaphore_mem>>)
    %scan3A = arith.constant 0 : i32
    %scan3A_31 = arith.constant 100 : i32
    %scan3A_32 = arith.addi %scan3A, %scan3A_31 : i32
    %scan3A_33 = arith.constant 1 : i32
    scf.for %scan3A_46 = %scan3A to %scan3A_32 step %scan3A_33  : i32 {
      %mul3A_47 = arith.constant 2 : i32
      %mul3A_48 = arith.muli %scan3A_46, %mul3A_47 : i32
      %add3A_49 = arith.constant 0 : i32
      %add3A_50 = arith.addi %add3A_49, %mul3A_48 : i32
      %add3A_51 = arith.constant 0 : i32
      %add3A_52 = arith.addi %add3A_50, %add3A_51 : i32
      %dma_wait3A_53 = arith.constant 0 : i32
      %dma_wait3A_54 = tpu.memref_slice %arg7[%add3A_52, %dma_wait3A_53] : memref<200x128xi32, #tpu.memory_space<vmem>> -> memref<1x128xi32, #tpu.memory_space<vmem>>
      %dma_wait3A_55 = tpu.memref_squeeze %dma_wait3A_54 : memref<1x128xi32, #tpu.memory_space<vmem>> -> memref<128xi32, #tpu.memory_space<vmem>>
      %dma_wait3A_56 = arith.constant 0 : i32
      %dma_wait3A_57 = arith.constant 0 : i32
      %dma_wait3A_58 = tpu.memref_slice %arg3[%dma_wait3A_56, %dma_wait3A_57] : memref<1000000x128xf32, #tpu.memory_space<hbm>> -> memref<1000000x128xf32, #tpu.memory_space<hbm>>
      tpu.wait_indirect_dma semaphore(%arg14 : memref<!tpu.dma_semaphore, #tpu.memory_space<semaphore_mem>>) src(%dma_wait3A_58 : memref<1000000x128xf32, #tpu.memory_space<hbm>>) dst(%arg8 : memref<128x128xf32, #tpu.memory_space<vmem>>)
      %ge3A = arith.constant 2 : i32
      %ge3A_59 = arith.cmpi sge, %add3A_52, %ge3A : i32
      %convert_element_type3A = arith.extui %ge3A_59 : i1 to i32
      %cond3A = arith.constant 0 : i32
      %cond3A_60 = arith.cmpi ne, %convert_element_type3A, %cond3A : i32
      scf.if %cond3A_60 {
        %dma_wait3A_111 = arith.constant 0 : i32
        %dma_wait3A_112 = arith.constant 0 : i32
        %dma_wait3A_113 = tpu.memref_slice %arg6[%dma_wait3A_111, %dma_wait3A_112] : memref<819200x128xf32, #tpu.memory_space<hbm>> -> memref<128x128xf32, #tpu.memory_space<hbm>>
        %dma_wait3A_114 = arith.constant 0 : i32
        %dma_wait3A_115 = arith.constant 0 : i32
        %dma_wait3A_116 = tpu.memref_slice %arg6[%dma_wait3A_114, %dma_wait3A_115] : memref<819200x128xf32, #tpu.memory_space<hbm>> -> memref<128x128xf32, #tpu.memory_space<hbm>>
        tpu.wait_dma2 semaphore(%arg16 : memref<!tpu.dma_semaphore, #tpu.memory_space<semaphore_mem>>) src(%arg10 : memref<128x128xf32, #tpu.memory_space<vmem>>) dst(%dma_wait3A_116 : memref<128x128xf32, #tpu.memory_space<hbm>>)
      } else {
      }
      %scan3A_61 = arith.constant 0 : i32
      %scan3A_62 = arith.constant 32 : i32
      %scan3A_63 = arith.addi %scan3A_61, %scan3A_62 : i32
      %scan3A_64 = arith.constant 1 : i32
      scf.for %scan3A_111 = %scan3A_61 to %scan3A_63 step %scan3A_64  : i32 {
        %mul3A_112 = arith.constant 4 : i32
        %mul3A_113 = arith.muli %scan3A_111, %mul3A_112 : i32
        %add3A_114 = arith.constant 0 : i32
        %add3A_115 = arith.addi %add3A_114, %mul3A_113 : i32
        %add3A_116 = arith.constant 0 : i32
        %add3A_117 = arith.addi %add3A_115, %add3A_116 : i32
        %get3A_118 = arith.index_cast %add3A_117 : i32 to index
        %get3A_119 = arith.constant 0 : index
        %get3A_120 = tpu.vector_load %arg8[%get3A_118, %get3A_119] {strides = array<i32>} : memref<128x128xf32, #tpu.memory_space<vmem>>, vector<16xf32>,
        %get3A_121 = arith.index_cast %add3A_117 : i32 to index
        %get3A_122 = arith.constant 16 : index
        %get3A_123 = tpu.vector_load %arg8[%get3A_121, %get3A_122] {strides = array<i32>} : memref<128x128xf32, #tpu.memory_space<vmem>>, vector<16xf32>,
        %get3A_124 = arith.index_cast %add3A_117 : i32 to index
        %get3A_125 = arith.constant 32 : index
        %get3A_126 = tpu.vector_load %arg8[%get3A_124, %get3A_125] {strides = array<i32>} : memref<128x128xf32, #tpu.memory_space<vmem>>, vector<16xf32>,
        %get3A_127 = arith.index_cast %add3A_117 : i32 to index
        %get3A_128 = arith.constant 48 : index
        %get3A_129 = tpu.vector_load %arg8[%get3A_127, %get3A_128] {strides = array<i32>} : memref<128x128xf32, #tpu.memory_space<vmem>>, vector<16xf32>,
        %add3A_130 = arith.addf %get3A_120, %get3A_123 : vector<16xf32>
        %add3A_131 = arith.addf %get3A_126, %get3A_129 : vector<16xf32>
        %add3A_132 = arith.addf %add3A_130, %add3A_131 : vector<16xf32>
        %mul3A_133 = arith.mulf %get3A_120, %get3A_120 : vector<16xf32>
        %mul3A_134 = arith.mulf %get3A_123, %get3A_123 : vector<16xf32>
        %add3A_135 = arith.addf %mul3A_133, %mul3A_134 : vector<16xf32>
        %mul3A_136 = arith.mulf %get3A_126, %get3A_126 : vector<16xf32>
        %mul3A_137 = arith.mulf %get3A_129, %get3A_129 : vector<16xf32>
        %add3A_138 = arith.addf %mul3A_136, %mul3A_137 : vector<16xf32>
        %add3A_139 = arith.addf %add3A_135, %add3A_138 : vector<16xf32>
        %reduce_sum3A = arith.constant true
        %reduce_sum3A_140 = vector.broadcast %reduce_sum3A : i1 to vector<16xi1>
        %reduce_sum3A_141 = tpu.scan <sum>, %add3A_132 masked %reduce_sum3A_140 : vector<16xf32>, vector<16xi1> -> vector<16xf32>
        %reduce_sum3A_142 = vector.extract %reduce_sum3A_141[15] : f32 from vector<16xf32>
        %reduce_sum3A_143 = arith.constant true
        %reduce_sum3A_144 = vector.broadcast %reduce_sum3A_143 : i1 to vector<16xi1>
        %reduce_sum3A_145 = tpu.scan <sum>, %add3A_139 masked %reduce_sum3A_144 : vector<16xf32>, vector<16xi1> -> vector<16xf32>
        %reduce_sum3A_146 = vector.extract %reduce_sum3A_145[15] : f32 from vector<16xf32>
        %mul3A_147 = arith.constant 1.562500e-02 : f32
        %mul3A_148 = arith.mulf %reduce_sum3A_142, %mul3A_147 : f32
        %mul3A_149 = arith.constant 1.562500e-02 : f32
        %mul3A_150 = arith.mulf %reduce_sum3A_146, %mul3A_149 : f32
        %mul3A_151 = arith.mulf %mul3A_148, %mul3A_148 : f32
        %sub3A = arith.subf %mul3A_150, %mul3A_151 : f32
        %add3A_152 = arith.constant 9.99999974E-6 : f32
        %add3A_153 = arith.addf %sub3A, %add3A_152 : f32
        %broadcast_in_dim3A = vector.broadcast %add3A_153 : f32 to vector<16xf32>
        %bitcast3A = vector.bitcast %broadcast_in_dim3A : vector<16xf32> to vector<16xi32>
        %shift_right_arithmetic3A = arith.constant 1 : i32
        %shift_right_arithmetic3A_154 = vector.broadcast %shift_right_arithmetic3A : i32 to vector<16xi32>
        %shift_right_arithmetic3A_155 = arith.shrsi %bitcast3A, %shift_right_arithmetic3A_154 : vector<16xi32>
        %sub3A_156 = arith.constant 1597463007 : i32
        %sub3A_157 = vector.broadcast %sub3A_156 : i32 to vector<16xi32>
        %sub3A_158 = arith.subi %sub3A_157, %shift_right_arithmetic3A_155 : vector<16xi32>
        %bitcast3A_159 = vector.bitcast %sub3A_158 : vector<16xi32> to vector<16xf32>
        %mul3A_160 = arith.constant 5.000000e-01 : f32
        %mul3A_161 = vector.broadcast %mul3A_160 : f32 to vector<16xf32>
        %mul3A_162 = arith.mulf %mul3A_161, %broadcast_in_dim3A : vector<16xf32>
        %mul3A_163 = arith.mulf %mul3A_162, %bitcast3A_159 : vector<16xf32>
        %mul3A_164 = arith.mulf %mul3A_163, %bitcast3A_159 : vector<16xf32>
        %sub3A_165 = arith.constant 1.500000e+00 : f32
        %sub3A_166 = vector.broadcast %sub3A_165 : f32 to vector<16xf32>
        %sub3A_167 = arith.subf %sub3A_166, %mul3A_164 : vector<16xf32>
        %mul3A_168 = arith.mulf %bitcast3A_159, %sub3A_167 : vector<16xf32>
        %mul3A_169 = arith.constant 5.000000e-01 : f32
        %mul3A_170 = vector.broadcast %mul3A_169 : f32 to vector<16xf32>
        %mul3A_171 = arith.mulf %mul3A_170, %broadcast_in_dim3A : vector<16xf32>
        %mul3A_172 = arith.mulf %mul3A_171, %mul3A_168 : vector<16xf32>
        %mul3A_173 = arith.mulf %mul3A_172, %mul3A_168 : vector<16xf32>
        %sub3A_174 = arith.constant 1.500000e+00 : f32
        %sub3A_175 = vector.broadcast %sub3A_174 : f32 to vector<16xf32>
        %sub3A_176 = arith.subf %sub3A_175, %mul3A_173 : vector<16xf32>
        %mul3A_177 = arith.mulf %mul3A_168, %sub3A_176 : vector<16xf32>
        %sub3A_178 = vector.broadcast %mul3A_148 : f32 to vector<16xf32>
        %sub3A_179 = arith.subf %get3A_120, %sub3A_178 : vector<16xf32>
        %mul3A_180 = arith.mulf %sub3A_179, %mul3A_177 : vector<16xf32>
        %mul3A_181 = arith.mulf %mul3A_180, %get3A_3 : vector<16xf32>
        %add3A_182 = arith.addf %mul3A_181, %get3A_11 : vector<16xf32>
        %swap3A = arith.index_cast %add3A_117 : i32 to index
        %swap3A_183 = arith.constant 0 : index
        %swap3A_184 = tpu.vector_load %arg10[%swap3A, %swap3A_183] {strides = array<i32>} : memref<128x128xf32, #tpu.memory_space<vmem>>, vector<16xf32>,
        tpu.vector_store %arg10[%swap3A, %swap3A_183], %add3A_182 {strides = array<i32>} : memref<128x128xf32, #tpu.memory_space<vmem>>, vector<16xf32>,
        %sub3A_185 = vector.broadcast %mul3A_148 : f32 to vector<16xf32>
        %sub3A_186 = arith.subf %get3A_123, %sub3A_185 : vector<16xf32>
        %mul3A_187 = arith.mulf %sub3A_186, %mul3A_177 : vector<16xf32>
        %mul3A_188 = arith.mulf %mul3A_187, %get3A_5 : vector<16xf32>
        %add3A_189 = arith.addf %mul3A_188, %get3A_13 : vector<16xf32>
        %swap3A_190 = arith.index_cast %add3A_117 : i32 to index
        %swap3A_191 = arith.constant 16 : index
        %swap3A_192 = tpu.vector_load %arg10[%swap3A_190, %swap3A_191] {strides = array<i32>} : memref<128x128xf32, #tpu.memory_space<vmem>>, vector<16xf32>,
        tpu.vector_store %arg10[%swap3A_190, %swap3A_191], %add3A_189 {strides = array<i32>} : memref<128x128xf32, #tpu.memory_space<vmem>>, vector<16xf32>,
        %sub3A_193 = vector.broadcast %mul3A_148 : f32 to vector<16xf32>
        %sub3A_194 = arith.subf %get3A_126, %sub3A_193 : vector<16xf32>
        %mul3A_195 = arith.mulf %sub3A_194, %mul3A_177 : vector<16xf32>
        %mul3A_196 = arith.mulf %mul3A_195, %get3A_7 : vector<16xf32>
        %add3A_197 = arith.addf %mul3A_196, %get3A_15 : vector<16xf32>
        %swap3A_198 = arith.index_cast %add3A_117 : i32 to index
        %swap3A_199 = arith.constant 32 : index
        %swap3A_200 = tpu.vector_load %arg10[%swap3A_198, %swap3A_199] {strides = array<i32>} : memref<128x128xf32, #tpu.memory_space<vmem>>, vector<16xf32>,
        tpu.vector_store %arg10[%swap3A_198, %swap3A_199], %add3A_197 {strides = array<i32>} : memref<128x128xf32, #tpu.memory_space<vmem>>, vector<16xf32>,
        %sub3A_201 = vector.broadcast %mul3A_148 : f32 to vector<16xf32>
        %sub3A_202 = arith.subf %get3A_129, %sub3A_201 : vector<16xf32>
        %mul3A_203 = arith.mulf %sub3A_202, %mul3A_177 : vector<16xf32>
        %mul3A_204 = arith.mulf %mul3A_203, %get3A_9 : vector<16xf32>
        %add3A_205 = arith.addf %mul3A_204, %get3A_17 : vector<16xf32>
        %swap3A_206 = arith.index_cast %add3A_117 : i32 to index
        %swap3A_207 = arith.constant 48 : index
        %swap3A_208 = tpu.vector_load %arg10[%swap3A_206, %swap3A_207] {strides = array<i32>} : memref<128x128xf32, #tpu.memory_space<vmem>>, vector<16xf32>,
        tpu.vector_store %arg10[%swap3A_206, %swap3A_207], %add3A_205 {strides = array<i32>} : memref<128x128xf32, #tpu.memory_space<vmem>>, vector<16xf32>,
        %add3A_209 = arith.constant 1 : i32
        %add3A_210 = arith.addi %add3A_115, %add3A_209 : i32
        %get3A_211 = arith.index_cast %add3A_210 : i32 to index
        %get3A_212 = arith.constant 0 : index
        %get3A_213 = tpu.vector_load %arg8[%get3A_211, %get3A_212] {strides = array<i32>} : memref<128x128xf32, #tpu.memory_space<vmem>>, vector<16xf32>,
        %get3A_214 = arith.index_cast %add3A_210 : i32 to index
        %get3A_215 = arith.constant 16 : index
        %get3A_216 = tpu.vector_load %arg8[%get3A_214, %get3A_215] {strides = array<i32>} : memref<128x128xf32, #tpu.memory_space<vmem>>, vector<16xf32>,
        %get3A_217 = arith.index_cast %add3A_210 : i32 to index
        %get3A_218 = arith.constant 32 : index
        %get3A_219 = tpu.vector_load %arg8[%get3A_217, %get3A_218] {strides = array<i32>} : memref<128x128xf32, #tpu.memory_space<vmem>>, vector<16xf32>,
        %get3A_220 = arith.index_cast %add3A_210 : i32 to index
        %get3A_221 = arith.constant 48 : index
        %get3A_222 = tpu.vector_load %arg8[%get3A_220, %get3A_221] {strides = array<i32>} : memref<128x128xf32, #tpu.memory_space<vmem>>, vector<16xf32>,
        %add3A_223 = arith.addf %get3A_213, %get3A_216 : vector<16xf32>
        %add3A_224 = arith.addf %get3A_219, %get3A_222 : vector<16xf32>
        %add3A_225 = arith.addf %add3A_223, %add3A_224 : vector<16xf32>
        %mul3A_226 = arith.mulf %get3A_213, %get3A_213 : vector<16xf32>
        %mul3A_227 = arith.mulf %get3A_216, %get3A_216 : vector<16xf32>
        %add3A_228 = arith.addf %mul3A_226, %mul3A_227 : vector<16xf32>
        %mul3A_229 = arith.mulf %get3A_219, %get3A_219 : vector<16xf32>
        %mul3A_230 = arith.mulf %get3A_222, %get3A_222 : vector<16xf32>
        %add3A_231 = arith.addf %mul3A_229, %mul3A_230 : vector<16xf32>
        %add3A_232 = arith.addf %add3A_228, %add3A_231 : vector<16xf32>
        %reduce_sum3A_233 = arith.constant true
        %reduce_sum3A_234 = vector.broadcast %reduce_sum3A_233 : i1 to vector<16xi1>
        %reduce_sum3A_235 = tpu.scan <sum>, %add3A_225 masked %reduce_sum3A_234 : vector<16xf32>, vector<16xi1> -> vector<16xf32>
        %reduce_sum3A_236 = vector.extract %reduce_sum3A_235[15] : f32 from vector<16xf32>
        %reduce_sum3A_237 = arith.constant true
        %reduce_sum3A_238 = vector.broadcast %reduce_sum3A_237 : i1 to vector<16xi1>
        %reduce_sum3A_239 = tpu.scan <sum>, %add3A_232 masked %reduce_sum3A_238 : vector<16xf32>, vector<16xi1> -> vector<16xf32>
        %reduce_sum3A_240 = vector.extract %reduce_sum3A_239[15] : f32 from vector<16xf32>
        %mul3A_241 = arith.constant 1.562500e-02 : f32
        %mul3A_242 = arith.mulf %reduce_sum3A_236, %mul3A_241 : f32
        %mul3A_243 = arith.constant 1.562500e-02 : f32
        %mul3A_244 = arith.mulf %reduce_sum3A_240, %mul3A_243 : f32
        %mul3A_245 = arith.mulf %mul3A_242, %mul3A_242 : f32
        %sub3A_246 = arith.subf %mul3A_244, %mul3A_245 : f32
        %add3A_247 = arith.constant 9.99999974E-6 : f32
        %add3A_248 = arith.addf %sub3A_246, %add3A_247 : f32
        %broadcast_in_dim3A_249 = vector.broadcast %add3A_248 : f32 to vector<16xf32>
        %bitcast3A_250 = vector.bitcast %broadcast_in_dim3A_249 : vector<16xf32> to vector<16xi32>
        %shift_right_arithmetic3A_251 = arith.constant 1 : i32
        %shift_right_arithmetic3A_252 = vector.broadcast %shift_right_arithmetic3A_251 : i32 to vector<16xi32>
        %shift_right_arithmetic3A_253 = arith.shrsi %bitcast3A_250, %shift_right_arithmetic3A_252 : vector<16xi32>
        %sub3A_254 = arith.constant 1597463007 : i32
        %sub3A_255 = vector.broadcast %sub3A_254 : i32 to vector<16xi32>
        %sub3A_256 = arith.subi %sub3A_255, %shift_right_arithmetic3A_253 : vector<16xi32>
        %bitcast3A_257 = vector.bitcast %sub3A_256 : vector<16xi32> to vector<16xf32>
        %mul3A_258 = arith.constant 5.000000e-01 : f32
        %mul3A_259 = vector.broadcast %mul3A_258 : f32 to vector<16xf32>
        %mul3A_260 = arith.mulf %mul3A_259, %broadcast_in_dim3A_249 : vector<16xf32>
        %mul3A_261 = arith.mulf %mul3A_260, %bitcast3A_257 : vector<16xf32>
        %mul3A_262 = arith.mulf %mul3A_261, %bitcast3A_257 : vector<16xf32>
        %sub3A_263 = arith.constant 1.500000e+00 : f32
        %sub3A_264 = vector.broadcast %sub3A_263 : f32 to vector<16xf32>
        %sub3A_265 = arith.subf %sub3A_264, %mul3A_262 : vector<16xf32>
        %mul3A_266 = arith.mulf %bitcast3A_257, %sub3A_265 : vector<16xf32>
        %mul3A_267 = arith.constant 5.000000e-01 : f32
        %mul3A_268 = vector.broadcast %mul3A_267 : f32 to vector<16xf32>
        %mul3A_269 = arith.mulf %mul3A_268, %broadcast_in_dim3A_249 : vector<16xf32>
        %mul3A_270 = arith.mulf %mul3A_269, %mul3A_266 : vector<16xf32>
        %mul3A_271 = arith.mulf %mul3A_270, %mul3A_266 : vector<16xf32>
        %sub3A_272 = arith.constant 1.500000e+00 : f32
        %sub3A_273 = vector.broadcast %sub3A_272 : f32 to vector<16xf32>
        %sub3A_274 = arith.subf %sub3A_273, %mul3A_271 : vector<16xf32>
        %mul3A_275 = arith.mulf %mul3A_266, %sub3A_274 : vector<16xf32>
        %sub3A_276 = vector.broadcast %mul3A_242 : f32 to vector<16xf32>
        %sub3A_277 = arith.subf %get3A_213, %sub3A_276 : vector<16xf32>
        %mul3A_278 = arith.mulf %sub3A_277, %mul3A_275 : vector<16xf32>
        %mul3A_279 = arith.mulf %mul3A_278, %get3A_3 : vector<16xf32>
        %add3A_280 = arith.addf %mul3A_279, %get3A_11 : vector<16xf32>
        %swap3A_281 = arith.index_cast %add3A_210 : i32 to index
        %swap3A_282 = arith.constant 0 : index
        %swap3A_283 = tpu.vector_load %arg10[%swap3A_281, %swap3A_282] {strides = array<i32>} : memref<128x128xf32, #tpu.memory_space<vmem>>, vector<16xf32>,
        tpu.vector_store %arg10[%swap3A_281, %swap3A_282], %add3A_280 {strides = array<i32>} : memref<128x128xf32, #tpu.memory_space<vmem>>, vector<16xf32>,
        %sub3A_284 = vector.broadcast %mul3A_242 : f32 to vector<16xf32>
        %sub3A_285 = arith.subf %get3A_216, %sub3A_284 : vector<16xf32>
        %mul3A_286 = arith.mulf %sub3A_285, %mul3A_275 : vector<16xf32>
        %mul3A_287 = arith.mulf %mul3A_286, %get3A_5 : vector<16xf32>
        %add3A_288 = arith.addf %mul3A_287, %get3A_13 : vector<16xf32>
        %swap3A_289 = arith.index_cast %add3A_210 : i32 to index
        %swap3A_290 = arith.constant 16 : index
        %swap3A_291 = tpu.vector_load %arg10[%swap3A_289, %swap3A_290] {strides = array<i32>} : memref<128x128xf32, #tpu.memory_space<vmem>>, vector<16xf32>,
        tpu.vector_store %arg10[%swap3A_289, %swap3A_290], %add3A_288 {strides = array<i32>} : memref<128x128xf32, #tpu.memory_space<vmem>>, vector<16xf32>,
        %sub3A_292 = vector.broadcast %mul3A_242 : f32 to vector<16xf32>
        %sub3A_293 = arith.subf %get3A_219, %sub3A_292 : vector<16xf32>
        %mul3A_294 = arith.mulf %sub3A_293, %mul3A_275 : vector<16xf32>
        %mul3A_295 = arith.mulf %mul3A_294, %get3A_7 : vector<16xf32>
        %add3A_296 = arith.addf %mul3A_295, %get3A_15 : vector<16xf32>
        %swap3A_297 = arith.index_cast %add3A_210 : i32 to index
        %swap3A_298 = arith.constant 32 : index
        %swap3A_299 = tpu.vector_load %arg10[%swap3A_297, %swap3A_298] {strides = array<i32>} : memref<128x128xf32, #tpu.memory_space<vmem>>, vector<16xf32>,
        tpu.vector_store %arg10[%swap3A_297, %swap3A_298], %add3A_296 {strides = array<i32>} : memref<128x128xf32, #tpu.memory_space<vmem>>, vector<16xf32>,
        %sub3A_300 = vector.broadcast %mul3A_242 : f32 to vector<16xf32>
        %sub3A_301 = arith.subf %get3A_222, %sub3A_300 : vector<16xf32>
        %mul3A_302 = arith.mulf %sub3A_301, %mul3A_275 : vector<16xf32>
        %mul3A_303 = arith.mulf %mul3A_302, %get3A_9 : vector<16xf32>
        %add3A_304 = arith.addf %mul3A_303, %get3A_17 : vector<16xf32>
        %swap3A_305 = arith.index_cast %add3A_210 : i32 to index
        %swap3A_306 = arith.constant 48 : index
        %swap3A_307 = tpu.vector_load %arg10[%swap3A_305, %swap3A_306] {strides = array<i32>} : memref<128x128xf32, #tpu.memory_space<vmem>>, vector<16xf32>,
        tpu.vector_store %arg10[%swap3A_305, %swap3A_306], %add3A_304 {strides = array<i32>} : memref<128x128xf32, #tpu.memory_space<vmem>>, vector<16xf32>,
        %add3A_308 = arith.constant 2 : i32
        %add3A_309 = arith.addi %add3A_115, %add3A_308 : i32
        %get3A_310 = arith.index_cast %add3A_309 : i32 to index
        %get3A_311 = arith.constant 0 : index
        %get3A_312 = tpu.vector_load %arg8[%get3A_310, %get3A_311] {strides = array<i32>} : memref<128x128xf32, #tpu.memory_space<vmem>>, vector<16xf32>,
        %get3A_313 = arith.index_cast %add3A_309 : i32 to index
        %get3A_314 = arith.constant 16 : index
        %get3A_315 = tpu.vector_load %arg8[%get3A_313, %get3A_314] {strides = array<i32>} : memref<128x128xf32, #tpu.memory_space<vmem>>, vector<16xf32>,
        %get3A_316 = arith.index_cast %add3A_309 : i32 to index
        %get3A_317 = arith.constant 32 : index
        %get3A_318 = tpu.vector_load %arg8[%get3A_316, %get3A_317] {strides = array<i32>} : memref<128x128xf32, #tpu.memory_space<vmem>>, vector<16xf32>,
        %get3A_319 = arith.index_cast %add3A_309 : i32 to index
        %get3A_320 = arith.constant 48 : index
        %get3A_321 = tpu.vector_load %arg8[%get3A_319, %get3A_320] {strides = array<i32>} : memref<128x128xf32, #tpu.memory_space<vmem>>, vector<16xf32>,
        %add3A_322 = arith.addf %get3A_312, %get3A_315 : vector<16xf32>
        %add3A_323 = arith.addf %get3A_318, %get3A_321 : vector<16xf32>
        %add3A_324 = arith.addf %add3A_322, %add3A_323 : vector<16xf32>
        %mul3A_325 = arith.mulf %get3A_312, %get3A_312 : vector<16xf32>
        %mul3A_326 = arith.mulf %get3A_315, %get3A_315 : vector<16xf32>
        %add3A_327 = arith.addf %mul3A_325, %mul3A_326 : vector<16xf32>
        %mul3A_328 = arith.mulf %get3A_318, %get3A_318 : vector<16xf32>
        %mul3A_329 = arith.mulf %get3A_321, %get3A_321 : vector<16xf32>
        %add3A_330 = arith.addf %mul3A_328, %mul3A_329 : vector<16xf32>
        %add3A_331 = arith.addf %add3A_327, %add3A_330 : vector<16xf32>
        %reduce_sum3A_332 = arith.constant true
        %reduce_sum3A_333 = vector.broadcast %reduce_sum3A_332 : i1 to vector<16xi1>
        %reduce_sum3A_334 = tpu.scan <sum>, %add3A_324 masked %reduce_sum3A_333 : vector<16xf32>, vector<16xi1> -> vector<16xf32>
        %reduce_sum3A_335 = vector.extract %reduce_sum3A_334[15] : f32 from vector<16xf32>
        %reduce_sum3A_336 = arith.constant true
        %reduce_sum3A_337 = vector.broadcast %reduce_sum3A_336 : i1 to vector<16xi1>
        %reduce_sum3A_338 = tpu.scan <sum>, %add3A_331 masked %reduce_sum3A_337 : vector<16xf32>, vector<16xi1> -> vector<16xf32>
        %reduce_sum3A_339 = vector.extract %reduce_sum3A_338[15] : f32 from vector<16xf32>
        %mul3A_340 = arith.constant 1.562500e-02 : f32
        %mul3A_341 = arith.mulf %reduce_sum3A_335, %mul3A_340 : f32
        %mul3A_342 = arith.constant 1.562500e-02 : f32
        %mul3A_343 = arith.mulf %reduce_sum3A_339, %mul3A_342 : f32
        %mul3A_344 = arith.mulf %mul3A_341, %mul3A_341 : f32
        %sub3A_345 = arith.subf %mul3A_343, %mul3A_344 : f32
        %add3A_346 = arith.constant 9.99999974E-6 : f32
        %add3A_347 = arith.addf %sub3A_345, %add3A_346 : f32
        %broadcast_in_dim3A_348 = vector.broadcast %add3A_347 : f32 to vector<16xf32>
        %bitcast3A_349 = vector.bitcast %broadcast_in_dim3A_348 : vector<16xf32> to vector<16xi32>
        %shift_right_arithmetic3A_350 = arith.constant 1 : i32
        %shift_right_arithmetic3A_351 = vector.broadcast %shift_right_arithmetic3A_350 : i32 to vector<16xi32>
        %shift_right_arithmetic3A_352 = arith.shrsi %bitcast3A_349, %shift_right_arithmetic3A_351 : vector<16xi32>
        %sub3A_353 = arith.constant 1597463007 : i32
        %sub3A_354 = vector.broadcast %sub3A_353 : i32 to vector<16xi32>
        %sub3A_355 = arith.subi %sub3A_354, %shift_right_arithmetic3A_352 : vector<16xi32>
        %bitcast3A_356 = vector.bitcast %sub3A_355 : vector<16xi32> to vector<16xf32>
        %mul3A_357 = arith.constant 5.000000e-01 : f32
        %mul3A_358 = vector.broadcast %mul3A_357 : f32 to vector<16xf32>
        %mul3A_359 = arith.mulf %mul3A_358, %broadcast_in_dim3A_348 : vector<16xf32>
        %mul3A_360 = arith.mulf %mul3A_359, %bitcast3A_356 : vector<16xf32>
        %mul3A_361 = arith.mulf %mul3A_360, %bitcast3A_356 : vector<16xf32>
        %sub3A_362 = arith.constant 1.500000e+00 : f32
        %sub3A_363 = vector.broadcast %sub3A_362 : f32 to vector<16xf32>
        %sub3A_364 = arith.subf %sub3A_363, %mul3A_361 : vector<16xf32>
        %mul3A_365 = arith.mulf %bitcast3A_356, %sub3A_364 : vector<16xf32>
        %mul3A_366 = arith.constant 5.000000e-01 : f32
        %mul3A_367 = vector.broadcast %mul3A_366 : f32 to vector<16xf32>
        %mul3A_368 = arith.mulf %mul3A_367, %broadcast_in_dim3A_348 : vector<16xf32>
        %mul3A_369 = arith.mulf %mul3A_368, %mul3A_365 : vector<16xf32>
        %mul3A_370 = arith.mulf %mul3A_369, %mul3A_365 : vector<16xf32>
        %sub3A_371 = arith.constant 1.500000e+00 : f32
        %sub3A_372 = vector.broadcast %sub3A_371 : f32 to vector<16xf32>
        %sub3A_373 = arith.subf %sub3A_372, %mul3A_370 : vector<16xf32>
        %mul3A_374 = arith.mulf %mul3A_365, %sub3A_373 : vector<16xf32>
        %sub3A_375 = vector.broadcast %mul3A_341 : f32 to vector<16xf32>
        %sub3A_376 = arith.subf %get3A_312, %sub3A_375 : vector<16xf32>
        %mul3A_377 = arith.mulf %sub3A_376, %mul3A_374 : vector<16xf32>
        %mul3A_378 = arith.mulf %mul3A_377, %get3A_3 : vector<16xf32>
        %add3A_379 = arith.addf %mul3A_378, %get3A_11 : vector<16xf32>
        %swap3A_380 = arith.index_cast %add3A_309 : i32 to index
        %swap3A_381 = arith.constant 0 : index
        %swap3A_382 = tpu.vector_load %arg10[%swap3A_380, %swap3A_381] {strides = array<i32>} : memref<128x128xf32, #tpu.memory_space<vmem>>, vector<16xf32>,
        tpu.vector_store %arg10[%swap3A_380, %swap3A_381], %add3A_379 {strides = array<i32>} : memref<128x128xf32, #tpu.memory_space<vmem>>, vector<16xf32>,
        %sub3A_383 = vector.broadcast %mul3A_341 : f32 to vector<16xf32>
        %sub3A_384 = arith.subf %get3A_315, %sub3A_383 : vector<16xf32>
        %mul3A_385 = arith.mulf %sub3A_384, %mul3A_374 : vector<16xf32>
        %mul3A_386 = arith.mulf %mul3A_385, %get3A_5 : vector<16xf32>
        %add3A_387 = arith.addf %mul3A_386, %get3A_13 : vector<16xf32>
        %swap3A_388 = arith.index_cast %add3A_309 : i32 to index
        %swap3A_389 = arith.constant 16 : index
        %swap3A_390 = tpu.vector_load %arg10[%swap3A_388, %swap3A_389] {strides = array<i32>} : memref<128x128xf32, #tpu.memory_space<vmem>>, vector<16xf32>,
        tpu.vector_store %arg10[%swap3A_388, %swap3A_389], %add3A_387 {strides = array<i32>} : memref<128x128xf32, #tpu.memory_space<vmem>>, vector<16xf32>,
        %sub3A_391 = vector.broadcast %mul3A_341 : f32 to vector<16xf32>
        %sub3A_392 = arith.subf %get3A_318, %sub3A_391 : vector<16xf32>
        %mul3A_393 = arith.mulf %sub3A_392, %mul3A_374 : vector<16xf32>
        %mul3A_394 = arith.mulf %mul3A_393, %get3A_7 : vector<16xf32>
        %add3A_395 = arith.addf %mul3A_394, %get3A_15 : vector<16xf32>
        %swap3A_396 = arith.index_cast %add3A_309 : i32 to index
        %swap3A_397 = arith.constant 32 : index
        %swap3A_398 = tpu.vector_load %arg10[%swap3A_396, %swap3A_397] {strides = array<i32>} : memref<128x128xf32, #tpu.memory_space<vmem>>, vector<16xf32>,
        tpu.vector_store %arg10[%swap3A_396, %swap3A_397], %add3A_395 {strides = array<i32>} : memref<128x128xf32, #tpu.memory_space<vmem>>, vector<16xf32>,
        %sub3A_399 = vector.broadcast %mul3A_341 : f32 to vector<16xf32>
        %sub3A_400 = arith.subf %get3A_321, %sub3A_399 : vector<16xf32>
        %mul3A_401 = arith.mulf %sub3A_400, %mul3A_374 : vector<16xf32>
        %mul3A_402 = arith.mulf %mul3A_401, %get3A_9 : vector<16xf32>
        %add3A_403 = arith.addf %mul3A_402, %get3A_17 : vector<16xf32>
        %swap3A_404 = arith.index_cast %add3A_309 : i32 to index
        %swap3A_405 = arith.constant 48 : index
        %swap3A_406 = tpu.vector_load %arg10[%swap3A_404, %swap3A_405] {strides = array<i32>} : memref<128x128xf32, #tpu.memory_space<vmem>>, vector<16xf32>,
        tpu.vector_store %arg10[%swap3A_404, %swap3A_405], %add3A_403 {strides = array<i32>} : memref<128x128xf32, #tpu.memory_space<vmem>>, vector<16xf32>,
        %add3A_407 = arith.constant 3 : i32
        %add3A_408 = arith.addi %add3A_115, %add3A_407 : i32
        %get3A_409 = arith.index_cast %add3A_408 : i32 to index
        %get3A_410 = arith.constant 0 : index
        %get3A_411 = tpu.vector_load %arg8[%get3A_409, %get3A_410] {strides = array<i32>} : memref<128x128xf32, #tpu.memory_space<vmem>>, vector<16xf32>,
        %get3A_412 = arith.index_cast %add3A_408 : i32 to index
        %get3A_413 = arith.constant 16 : index
        %get3A_414 = tpu.vector_load %arg8[%get3A_412, %get3A_413] {strides = array<i32>} : memref<128x128xf32, #tpu.memory_space<vmem>>, vector<16xf32>,
        %get3A_415 = arith.index_cast %add3A_408 : i32 to index
        %get3A_416 = arith.constant 32 : index
        %get3A_417 = tpu.vector_load %arg8[%get3A_415, %get3A_416] {strides = array<i32>} : memref<128x128xf32, #tpu.memory_space<vmem>>, vector<16xf32>,
        %get3A_418 = arith.index_cast %add3A_408 : i32 to index
        %get3A_419 = arith.constant 48 : index
        %get3A_420 = tpu.vector_load %arg8[%get3A_418, %get3A_419] {strides = array<i32>} : memref<128x128xf32, #tpu.memory_space<vmem>>, vector<16xf32>,
        %add3A_421 = arith.addf %get3A_411, %get3A_414 : vector<16xf32>
        %add3A_422 = arith.addf %get3A_417, %get3A_420 : vector<16xf32>
        %add3A_423 = arith.addf %add3A_421, %add3A_422 : vector<16xf32>
        %mul3A_424 = arith.mulf %get3A_411, %get3A_411 : vector<16xf32>
        %mul3A_425 = arith.mulf %get3A_414, %get3A_414 : vector<16xf32>
        %add3A_426 = arith.addf %mul3A_424, %mul3A_425 : vector<16xf32>
        %mul3A_427 = arith.mulf %get3A_417, %get3A_417 : vector<16xf32>
        %mul3A_428 = arith.mulf %get3A_420, %get3A_420 : vector<16xf32>
        %add3A_429 = arith.addf %mul3A_427, %mul3A_428 : vector<16xf32>
        %add3A_430 = arith.addf %add3A_426, %add3A_429 : vector<16xf32>
        %reduce_sum3A_431 = arith.constant true
        %reduce_sum3A_432 = vector.broadcast %reduce_sum3A_431 : i1 to vector<16xi1>
        %reduce_sum3A_433 = tpu.scan <sum>, %add3A_423 masked %reduce_sum3A_432 : vector<16xf32>, vector<16xi1> -> vector<16xf32>
        %reduce_sum3A_434 = vector.extract %reduce_sum3A_433[15] : f32 from vector<16xf32>
        %reduce_sum3A_435 = arith.constant true
        %reduce_sum3A_436 = vector.broadcast %reduce_sum3A_435 : i1 to vector<16xi1>
        %reduce_sum3A_437 = tpu.scan <sum>, %add3A_430 masked %reduce_sum3A_436 : vector<16xf32>, vector<16xi1> -> vector<16xf32>
        %reduce_sum3A_438 = vector.extract %reduce_sum3A_437[15] : f32 from vector<16xf32>
        %mul3A_439 = arith.constant 1.562500e-02 : f32
        %mul3A_440 = arith.mulf %reduce_sum3A_434, %mul3A_439 : f32
        %mul3A_441 = arith.constant 1.562500e-02 : f32
        %mul3A_442 = arith.mulf %reduce_sum3A_438, %mul3A_441 : f32
        %mul3A_443 = arith.mulf %mul3A_440, %mul3A_440 : f32
        %sub3A_444 = arith.subf %mul3A_442, %mul3A_443 : f32
        %add3A_445 = arith.constant 9.99999974E-6 : f32
        %add3A_446 = arith.addf %sub3A_444, %add3A_445 : f32
        %broadcast_in_dim3A_447 = vector.broadcast %add3A_446 : f32 to vector<16xf32>
        %bitcast3A_448 = vector.bitcast %broadcast_in_dim3A_447 : vector<16xf32> to vector<16xi32>
        %shift_right_arithmetic3A_449 = arith.constant 1 : i32
        %shift_right_arithmetic3A_450 = vector.broadcast %shift_right_arithmetic3A_449 : i32 to vector<16xi32>
        %shift_right_arithmetic3A_451 = arith.shrsi %bitcast3A_448, %shift_right_arithmetic3A_450 : vector<16xi32>
        %sub3A_452 = arith.constant 1597463007 : i32
        %sub3A_453 = vector.broadcast %sub3A_452 : i32 to vector<16xi32>
        %sub3A_454 = arith.subi %sub3A_453, %shift_right_arithmetic3A_451 : vector<16xi32>
        %bitcast3A_455 = vector.bitcast %sub3A_454 : vector<16xi32> to vector<16xf32>
        %mul3A_456 = arith.constant 5.000000e-01 : f32
        %mul3A_457 = vector.broadcast %mul3A_456 : f32 to vector<16xf32>
        %mul3A_458 = arith.mulf %mul3A_457, %broadcast_in_dim3A_447 : vector<16xf32>
        %mul3A_459 = arith.mulf %mul3A_458, %bitcast3A_455 : vector<16xf32>
        %mul3A_460 = arith.mulf %mul3A_459, %bitcast3A_455 : vector<16xf32>
        %sub3A_461 = arith.constant 1.500000e+00 : f32
        %sub3A_462 = vector.broadcast %sub3A_461 : f32 to vector<16xf32>
        %sub3A_463 = arith.subf %sub3A_462, %mul3A_460 : vector<16xf32>
        %mul3A_464 = arith.mulf %bitcast3A_455, %sub3A_463 : vector<16xf32>
        %mul3A_465 = arith.constant 5.000000e-01 : f32
        %mul3A_466 = vector.broadcast %mul3A_465 : f32 to vector<16xf32>
        %mul3A_467 = arith.mulf %mul3A_466, %broadcast_in_dim3A_447 : vector<16xf32>
        %mul3A_468 = arith.mulf %mul3A_467, %mul3A_464 : vector<16xf32>
        %mul3A_469 = arith.mulf %mul3A_468, %mul3A_464 : vector<16xf32>
        %sub3A_470 = arith.constant 1.500000e+00 : f32
        %sub3A_471 = vector.broadcast %sub3A_470 : f32 to vector<16xf32>
        %sub3A_472 = arith.subf %sub3A_471, %mul3A_469 : vector<16xf32>
        %mul3A_473 = arith.mulf %mul3A_464, %sub3A_472 : vector<16xf32>
        %sub3A_474 = vector.broadcast %mul3A_440 : f32 to vector<16xf32>
        %sub3A_475 = arith.subf %get3A_411, %sub3A_474 : vector<16xf32>
        %mul3A_476 = arith.mulf %sub3A_475, %mul3A_473 : vector<16xf32>
        %mul3A_477 = arith.mulf %mul3A_476, %get3A_3 : vector<16xf32>
        %add3A_478 = arith.addf %mul3A_477, %get3A_11 : vector<16xf32>
        %swap3A_479 = arith.index_cast %add3A_408 : i32 to index
        %swap3A_480 = arith.constant 0 : index
        %swap3A_481 = tpu.vector_load %arg10[%swap3A_479, %swap3A_480] {strides = array<i32>} : memref<128x128xf32, #tpu.memory_space<vmem>>, vector<16xf32>,
        tpu.vector_store %arg10[%swap3A_479, %swap3A_480], %add3A_478 {strides = array<i32>} : memref<128x128xf32, #tpu.memory_space<vmem>>, vector<16xf32>,
        %sub3A_482 = vector.broadcast %mul3A_440 : f32 to vector<16xf32>
        %sub3A_483 = arith.subf %get3A_414, %sub3A_482 : vector<16xf32>
        %mul3A_484 = arith.mulf %sub3A_483, %mul3A_473 : vector<16xf32>
        %mul3A_485 = arith.mulf %mul3A_484, %get3A_5 : vector<16xf32>
        %add3A_486 = arith.addf %mul3A_485, %get3A_13 : vector<16xf32>
        %swap3A_487 = arith.index_cast %add3A_408 : i32 to index
        %swap3A_488 = arith.constant 16 : index
        %swap3A_489 = tpu.vector_load %arg10[%swap3A_487, %swap3A_488] {strides = array<i32>} : memref<128x128xf32, #tpu.memory_space<vmem>>, vector<16xf32>,
        tpu.vector_store %arg10[%swap3A_487, %swap3A_488], %add3A_486 {strides = array<i32>} : memref<128x128xf32, #tpu.memory_space<vmem>>, vector<16xf32>,
        %sub3A_490 = vector.broadcast %mul3A_440 : f32 to vector<16xf32>
        %sub3A_491 = arith.subf %get3A_417, %sub3A_490 : vector<16xf32>
        %mul3A_492 = arith.mulf %sub3A_491, %mul3A_473 : vector<16xf32>
        %mul3A_493 = arith.mulf %mul3A_492, %get3A_7 : vector<16xf32>
        %add3A_494 = arith.addf %mul3A_493, %get3A_15 : vector<16xf32>
        %swap3A_495 = arith.index_cast %add3A_408 : i32 to index
        %swap3A_496 = arith.constant 32 : index
        %swap3A_497 = tpu.vector_load %arg10[%swap3A_495, %swap3A_496] {strides = array<i32>} : memref<128x128xf32, #tpu.memory_space<vmem>>, vector<16xf32>,
        tpu.vector_store %arg10[%swap3A_495, %swap3A_496], %add3A_494 {strides = array<i32>} : memref<128x128xf32, #tpu.memory_space<vmem>>, vector<16xf32>,
        %sub3A_498 = vector.broadcast %mul3A_440 : f32 to vector<16xf32>
        %sub3A_499 = arith.subf %get3A_420, %sub3A_498 : vector<16xf32>
        %mul3A_500 = arith.mulf %sub3A_499, %mul3A_473 : vector<16xf32>
        %mul3A_501 = arith.mulf %mul3A_500, %get3A_9 : vector<16xf32>
        %add3A_502 = arith.addf %mul3A_501, %get3A_17 : vector<16xf32>
        %swap3A_503 = arith.index_cast %add3A_408 : i32 to index
        %swap3A_504 = arith.constant 48 : index
        %swap3A_505 = tpu.vector_load %arg10[%swap3A_503, %swap3A_504] {strides = array<i32>} : memref<128x128xf32, #tpu.memory_space<vmem>>, vector<16xf32>,
        tpu.vector_store %arg10[%swap3A_503, %swap3A_504], %add3A_502 {strides = array<i32>} : memref<128x128xf32, #tpu.memory_space<vmem>>, vector<16xf32>,
      }
      %scan3A_65 = arith.constant 32 : i32
      %add3A_66 = arith.addi %mul3A_2, %add3A_52 : i32
      %mul3A_67 = arith.constant 128 : i32
      %mul3A_68 = arith.muli %add3A_66, %mul3A_67 : i32
      %dma_start3A_69 = arith.constant 0 : i32
      %dma_start3A_70 = tpu.memref_slice %arg6[%mul3A_68, %dma_start3A_69] : memref<819200x128xf32, #tpu.memory_space<hbm>> -> memref<128x128xf32, #tpu.memory_space<hbm>>
      %dma_start3A_71 = arith.constant 0 : i32
      %dma_start3A_72 = tpu.memref_slice %arg6[%mul3A_68, %dma_start3A_71] : memref<819200x128xf32, #tpu.memory_space<hbm>> -> memref<128x128xf32, #tpu.memory_space<hbm>>
      tpu.enqueue_dma source(%arg10 : memref<128x128xf32, #tpu.memory_space<vmem>>) target(%dma_start3A_72 : memref<128x128xf32, #tpu.memory_space<hbm>>) target_semaphore(%arg16 : memref<!tpu.dma_semaphore, #tpu.memory_space<semaphore_mem>>)
      %add3A_73 = arith.constant 2 : i32
      %add3A_74 = arith.addi %add3A_52, %add3A_73 : i32
      %lt3A = arith.constant 200 : i32
      %lt3A_75 = arith.cmpi slt, %add3A_74, %lt3A : i32
      %convert_element_type3A_76 = arith.extui %lt3A_75 : i1 to i32
      %cond3A_77 = arith.constant 0 : i32
      %cond3A_78 = arith.cmpi ne, %convert_element_type3A_76, %cond3A_77 : i32
      scf.if %cond3A_78 {
        %add3A_111 = arith.constant 2 : i32
        %add3A_112 = arith.addi %add3A_52, %add3A_111 : i32
        %dma_start3A_113 = arith.constant 0 : i32
        %dma_start3A_114 = tpu.memref_slice %arg7[%add3A_112, %dma_start3A_113] : memref<200x128xi32, #tpu.memory_space<vmem>> -> memref<1x128xi32, #tpu.memory_space<vmem>>
        %dma_start3A_115 = tpu.memref_squeeze %dma_start3A_114 : memref<1x128xi32, #tpu.memory_space<vmem>> -> memref<128xi32, #tpu.memory_space<vmem>>
        %dma_start3A_116 = arith.constant 0 : i32
        %dma_start3A_117 = arith.constant 0 : i32
        %dma_start3A_118 = tpu.memref_slice %arg3[%dma_start3A_116, %dma_start3A_117] : memref<1000000x128xf32, #tpu.memory_space<hbm>> -> memref<1000000x128xf32, #tpu.memory_space<hbm>>
        tpu.enqueue_indirect_dma source(%dma_start3A_118 : memref<1000000x128xf32, #tpu.memory_space<hbm>>) target(%arg8 : memref<128x128xf32, #tpu.memory_space<vmem>>) offsets(%dma_start3A_115 : memref<128xi32, #tpu.memory_space<vmem>>) semaphore(%arg14 : memref<!tpu.dma_semaphore, #tpu.memory_space<semaphore_mem>>)
      } else {
      }
      %add3A_79 = arith.constant 1 : i32
      %add3A_80 = arith.addi %add3A_50, %add3A_79 : i32
      %dma_wait3A_81 = arith.constant 0 : i32
      %dma_wait3A_82 = tpu.memref_slice %arg7[%add3A_80, %dma_wait3A_81] : memref<200x128xi32, #tpu.memory_space<vmem>> -> memref<1x128xi32, #tpu.memory_space<vmem>>
      %dma_wait3A_83 = tpu.memref_squeeze %dma_wait3A_82 : memref<1x128xi32, #tpu.memory_space<vmem>> -> memref<128xi32, #tpu.memory_space<vmem>>
      %dma_wait3A_84 = arith.constant 0 : i32
      %dma_wait3A_85 = arith.constant 0 : i32
      %dma_wait3A_86 = tpu.memref_slice %arg3[%dma_wait3A_84, %dma_wait3A_85] : memref<1000000x128xf32, #tpu.memory_space<hbm>> -> memref<1000000x128xf32, #tpu.memory_space<hbm>>
      tpu.wait_indirect_dma semaphore(%arg15 : memref<!tpu.dma_semaphore, #tpu.memory_space<semaphore_mem>>) src(%dma_wait3A_86 : memref<1000000x128xf32, #tpu.memory_space<hbm>>) dst(%arg9 : memref<128x128xf32, #tpu.memory_space<vmem>>)
      %ge3A_87 = arith.constant 2 : i32
      %ge3A_88 = arith.cmpi sge, %add3A_80, %ge3A_87 : i32
      %convert_element_type3A_89 = arith.extui %ge3A_88 : i1 to i32
      %cond3A_90 = arith.constant 0 : i32
      %cond3A_91 = arith.cmpi ne, %convert_element_type3A_89, %cond3A_90 : i32
      scf.if %cond3A_91 {
        %dma_wait3A_111 = arith.constant 0 : i32
        %dma_wait3A_112 = arith.constant 0 : i32
        %dma_wait3A_113 = tpu.memref_slice %arg6[%dma_wait3A_111, %dma_wait3A_112] : memref<819200x128xf32, #tpu.memory_space<hbm>> -> memref<128x128xf32, #tpu.memory_space<hbm>>
        %dma_wait3A_114 = arith.constant 0 : i32
        %dma_wait3A_115 = arith.constant 0 : i32
        %dma_wait3A_116 = tpu.memref_slice %arg6[%dma_wait3A_114, %dma_wait3A_115] : memref<819200x128xf32, #tpu.memory_space<hbm>> -> memref<128x128xf32, #tpu.memory_space<hbm>>
        tpu.wait_dma2 semaphore(%arg17 : memref<!tpu.dma_semaphore, #tpu.memory_space<semaphore_mem>>) src(%arg11 : memref<128x128xf32, #tpu.memory_space<vmem>>) dst(%dma_wait3A_116 : memref<128x128xf32, #tpu.memory_space<hbm>>)
      } else {
      }
      %scan3A_92 = arith.constant 0 : i32
      %scan3A_93 = arith.constant 32 : i32
      %scan3A_94 = arith.addi %scan3A_92, %scan3A_93 : i32
      %scan3A_95 = arith.constant 1 : i32
      scf.for %scan3A_111 = %scan3A_92 to %scan3A_94 step %scan3A_95  : i32 {
        %mul3A_112 = arith.constant 4 : i32
        %mul3A_113 = arith.muli %scan3A_111, %mul3A_112 : i32
        %add3A_114 = arith.constant 0 : i32
        %add3A_115 = arith.addi %add3A_114, %mul3A_113 : i32
        %add3A_116 = arith.constant 0 : i32
        %add3A_117 = arith.addi %add3A_115, %add3A_116 : i32
        %get3A_118 = arith.index_cast %add3A_117 : i32 to index
        %get3A_119 = arith.constant 0 : index
        %get3A_120 = tpu.vector_load %arg9[%get3A_118, %get3A_119] {strides = array<i32>} : memref<128x128xf32, #tpu.memory_space<vmem>>, vector<16xf32>,
        %get3A_121 = arith.index_cast %add3A_117 : i32 to index
        %get3A_122 = arith.constant 16 : index
        %get3A_123 = tpu.vector_load %arg9[%get3A_121, %get3A_122] {strides = array<i32>} : memref<128x128xf32, #tpu.memory_space<vmem>>, vector<16xf32>,
        %get3A_124 = arith.index_cast %add3A_117 : i32 to index
        %get3A_125 = arith.constant 32 : index
        %get3A_126 = tpu.vector_load %arg9[%get3A_124, %get3A_125] {strides = array<i32>} : memref<128x128xf32, #tpu.memory_space<vmem>>, vector<16xf32>,
        %get3A_127 = arith.index_cast %add3A_117 : i32 to index
        %get3A_128 = arith.constant 48 : index
        %get3A_129 = tpu.vector_load %arg9[%get3A_127, %get3A_128] {strides = array<i32>} : memref<128x128xf32, #tpu.memory_space<vmem>>, vector<16xf32>,
        %add3A_130 = arith.addf %get3A_120, %get3A_123 : vector<16xf32>
        %add3A_131 = arith.addf %get3A_126, %get3A_129 : vector<16xf32>
        %add3A_132 = arith.addf %add3A_130, %add3A_131 : vector<16xf32>
        %mul3A_133 = arith.mulf %get3A_120, %get3A_120 : vector<16xf32>
        %mul3A_134 = arith.mulf %get3A_123, %get3A_123 : vector<16xf32>
        %add3A_135 = arith.addf %mul3A_133, %mul3A_134 : vector<16xf32>
        %mul3A_136 = arith.mulf %get3A_126, %get3A_126 : vector<16xf32>
        %mul3A_137 = arith.mulf %get3A_129, %get3A_129 : vector<16xf32>
        %add3A_138 = arith.addf %mul3A_136, %mul3A_137 : vector<16xf32>
        %add3A_139 = arith.addf %add3A_135, %add3A_138 : vector<16xf32>
        %reduce_sum3A = arith.constant true
        %reduce_sum3A_140 = vector.broadcast %reduce_sum3A : i1 to vector<16xi1>
        %reduce_sum3A_141 = tpu.scan <sum>, %add3A_132 masked %reduce_sum3A_140 : vector<16xf32>, vector<16xi1> -> vector<16xf32>
        %reduce_sum3A_142 = vector.extract %reduce_sum3A_141[15] : f32 from vector<16xf32>
        %reduce_sum3A_143 = arith.constant true
        %reduce_sum3A_144 = vector.broadcast %reduce_sum3A_143 : i1 to vector<16xi1>
        %reduce_sum3A_145 = tpu.scan <sum>, %add3A_139 masked %reduce_sum3A_144 : vector<16xf32>, vector<16xi1> -> vector<16xf32>
        %reduce_sum3A_146 = vector.extract %reduce_sum3A_145[15] : f32 from vector<16xf32>
        %mul3A_147 = arith.constant 1.562500e-02 : f32
        %mul3A_148 = arith.mulf %reduce_sum3A_142, %mul3A_147 : f32
        %mul3A_149 = arith.constant 1.562500e-02 : f32
        %mul3A_150 = arith.mulf %reduce_sum3A_146, %mul3A_149 : f32
        %mul3A_151 = arith.mulf %mul3A_148, %mul3A_148 : f32
        %sub3A = arith.subf %mul3A_150, %mul3A_151 : f32
        %add3A_152 = arith.constant 9.99999974E-6 : f32
        %add3A_153 = arith.addf %sub3A, %add3A_152 : f32
        %broadcast_in_dim3A = vector.broadcast %add3A_153 : f32 to vector<16xf32>
        %bitcast3A = vector.bitcast %broadcast_in_dim3A : vector<16xf32> to vector<16xi32>
        %shift_right_arithmetic3A = arith.constant 1 : i32
        %shift_right_arithmetic3A_154 = vector.broadcast %shift_right_arithmetic3A : i32 to vector<16xi32>
        %shift_right_arithmetic3A_155 = arith.shrsi %bitcast3A, %shift_right_arithmetic3A_154 : vector<16xi32>
        %sub3A_156 = arith.constant 1597463007 : i32
        %sub3A_157 = vector.broadcast %sub3A_156 : i32 to vector<16xi32>
        %sub3A_158 = arith.subi %sub3A_157, %shift_right_arithmetic3A_155 : vector<16xi32>
        %bitcast3A_159 = vector.bitcast %sub3A_158 : vector<16xi32> to vector<16xf32>
        %mul3A_160 = arith.constant 5.000000e-01 : f32
        %mul3A_161 = vector.broadcast %mul3A_160 : f32 to vector<16xf32>
        %mul3A_162 = arith.mulf %mul3A_161, %broadcast_in_dim3A : vector<16xf32>
        %mul3A_163 = arith.mulf %mul3A_162, %bitcast3A_159 : vector<16xf32>
        %mul3A_164 = arith.mulf %mul3A_163, %bitcast3A_159 : vector<16xf32>
        %sub3A_165 = arith.constant 1.500000e+00 : f32
        %sub3A_166 = vector.broadcast %sub3A_165 : f32 to vector<16xf32>
        %sub3A_167 = arith.subf %sub3A_166, %mul3A_164 : vector<16xf32>
        %mul3A_168 = arith.mulf %bitcast3A_159, %sub3A_167 : vector<16xf32>
        %mul3A_169 = arith.constant 5.000000e-01 : f32
        %mul3A_170 = vector.broadcast %mul3A_169 : f32 to vector<16xf32>
        %mul3A_171 = arith.mulf %mul3A_170, %broadcast_in_dim3A : vector<16xf32>
        %mul3A_172 = arith.mulf %mul3A_171, %mul3A_168 : vector<16xf32>
        %mul3A_173 = arith.mulf %mul3A_172, %mul3A_168 : vector<16xf32>
        %sub3A_174 = arith.constant 1.500000e+00 : f32
        %sub3A_175 = vector.broadcast %sub3A_174 : f32 to vector<16xf32>
        %sub3A_176 = arith.subf %sub3A_175, %mul3A_173 : vector<16xf32>
        %mul3A_177 = arith.mulf %mul3A_168, %sub3A_176 : vector<16xf32>
        %sub3A_178 = vector.broadcast %mul3A_148 : f32 to vector<16xf32>
        %sub3A_179 = arith.subf %get3A_120, %sub3A_178 : vector<16xf32>
        %mul3A_180 = arith.mulf %sub3A_179, %mul3A_177 : vector<16xf32>
        %mul3A_181 = arith.mulf %mul3A_180, %get3A_3 : vector<16xf32>
        %add3A_182 = arith.addf %mul3A_181, %get3A_11 : vector<16xf32>
        %swap3A = arith.index_cast %add3A_117 : i32 to index
        %swap3A_183 = arith.constant 0 : index
        %swap3A_184 = tpu.vector_load %arg11[%swap3A, %swap3A_183] {strides = array<i32>} : memref<128x128xf32, #tpu.memory_space<vmem>>, vector<16xf32>,
        tpu.vector_store %arg11[%swap3A, %swap3A_183], %add3A_182 {strides = array<i32>} : memref<128x128xf32, #tpu.memory_space<vmem>>, vector<16xf32>,
        %sub3A_185 = vector.broadcast %mul3A_148 : f32 to vector<16xf32>
        %sub3A_186 = arith.subf %get3A_123, %sub3A_185 : vector<16xf32>
        %mul3A_187 = arith.mulf %sub3A_186, %mul3A_177 : vector<16xf32>
        %mul3A_188 = arith.mulf %mul3A_187, %get3A_5 : vector<16xf32>
        %add3A_189 = arith.addf %mul3A_188, %get3A_13 : vector<16xf32>
        %swap3A_190 = arith.index_cast %add3A_117 : i32 to index
        %swap3A_191 = arith.constant 16 : index
        %swap3A_192 = tpu.vector_load %arg11[%swap3A_190, %swap3A_191] {strides = array<i32>} : memref<128x128xf32, #tpu.memory_space<vmem>>, vector<16xf32>,
        tpu.vector_store %arg11[%swap3A_190, %swap3A_191], %add3A_189 {strides = array<i32>} : memref<128x128xf32, #tpu.memory_space<vmem>>, vector<16xf32>,
        %sub3A_193 = vector.broadcast %mul3A_148 : f32 to vector<16xf32>
        %sub3A_194 = arith.subf %get3A_126, %sub3A_193 : vector<16xf32>
        %mul3A_195 = arith.mulf %sub3A_194, %mul3A_177 : vector<16xf32>
        %mul3A_196 = arith.mulf %mul3A_195, %get3A_7 : vector<16xf32>
        %add3A_197 = arith.addf %mul3A_196, %get3A_15 : vector<16xf32>
        %swap3A_198 = arith.index_cast %add3A_117 : i32 to index
        %swap3A_199 = arith.constant 32 : index
        %swap3A_200 = tpu.vector_load %arg11[%swap3A_198, %swap3A_199] {strides = array<i32>} : memref<128x128xf32, #tpu.memory_space<vmem>>, vector<16xf32>,
        tpu.vector_store %arg11[%swap3A_198, %swap3A_199], %add3A_197 {strides = array<i32>} : memref<128x128xf32, #tpu.memory_space<vmem>>, vector<16xf32>,
        %sub3A_201 = vector.broadcast %mul3A_148 : f32 to vector<16xf32>
        %sub3A_202 = arith.subf %get3A_129, %sub3A_201 : vector<16xf32>
        %mul3A_203 = arith.mulf %sub3A_202, %mul3A_177 : vector<16xf32>
        %mul3A_204 = arith.mulf %mul3A_203, %get3A_9 : vector<16xf32>
        %add3A_205 = arith.addf %mul3A_204, %get3A_17 : vector<16xf32>
        %swap3A_206 = arith.index_cast %add3A_117 : i32 to index
        %swap3A_207 = arith.constant 48 : index
        %swap3A_208 = tpu.vector_load %arg11[%swap3A_206, %swap3A_207] {strides = array<i32>} : memref<128x128xf32, #tpu.memory_space<vmem>>, vector<16xf32>,
        tpu.vector_store %arg11[%swap3A_206, %swap3A_207], %add3A_205 {strides = array<i32>} : memref<128x128xf32, #tpu.memory_space<vmem>>, vector<16xf32>,
        %add3A_209 = arith.constant 1 : i32
        %add3A_210 = arith.addi %add3A_115, %add3A_209 : i32
        %get3A_211 = arith.index_cast %add3A_210 : i32 to index
        %get3A_212 = arith.constant 0 : index
        %get3A_213 = tpu.vector_load %arg9[%get3A_211, %get3A_212] {strides = array<i32>} : memref<128x128xf32, #tpu.memory_space<vmem>>, vector<16xf32>,
        %get3A_214 = arith.index_cast %add3A_210 : i32 to index
        %get3A_215 = arith.constant 16 : index
        %get3A_216 = tpu.vector_load %arg9[%get3A_214, %get3A_215] {strides = array<i32>} : memref<128x128xf32, #tpu.memory_space<vmem>>, vector<16xf32>,
        %get3A_217 = arith.index_cast %add3A_210 : i32 to index
        %get3A_218 = arith.constant 32 : index
        %get3A_219 = tpu.vector_load %arg9[%get3A_217, %get3A_218] {strides = array<i32>} : memref<128x128xf32, #tpu.memory_space<vmem>>, vector<16xf32>,
        %get3A_220 = arith.index_cast %add3A_210 : i32 to index
        %get3A_221 = arith.constant 48 : index
        %get3A_222 = tpu.vector_load %arg9[%get3A_220, %get3A_221] {strides = array<i32>} : memref<128x128xf32, #tpu.memory_space<vmem>>, vector<16xf32>,
        %add3A_223 = arith.addf %get3A_213, %get3A_216 : vector<16xf32>
        %add3A_224 = arith.addf %get3A_219, %get3A_222 : vector<16xf32>
        %add3A_225 = arith.addf %add3A_223, %add3A_224 : vector<16xf32>
        %mul3A_226 = arith.mulf %get3A_213, %get3A_213 : vector<16xf32>
        %mul3A_227 = arith.mulf %get3A_216, %get3A_216 : vector<16xf32>
        %add3A_228 = arith.addf %mul3A_226, %mul3A_227 : vector<16xf32>
        %mul3A_229 = arith.mulf %get3A_219, %get3A_219 : vector<16xf32>
        %mul3A_230 = arith.mulf %get3A_222, %get3A_222 : vector<16xf32>
        %add3A_231 = arith.addf %mul3A_229, %mul3A_230 : vector<16xf32>
        %add3A_232 = arith.addf %add3A_228, %add3A_231 : vector<16xf32>
        %reduce_sum3A_233 = arith.constant true
        %reduce_sum3A_234 = vector.broadcast %reduce_sum3A_233 : i1 to vector<16xi1>
        %reduce_sum3A_235 = tpu.scan <sum>, %add3A_225 masked %reduce_sum3A_234 : vector<16xf32>, vector<16xi1> -> vector<16xf32>
        %reduce_sum3A_236 = vector.extract %reduce_sum3A_235[15] : f32 from vector<16xf32>
        %reduce_sum3A_237 = arith.constant true
        %reduce_sum3A_238 = vector.broadcast %reduce_sum3A_237 : i1 to vector<16xi1>
        %reduce_sum3A_239 = tpu.scan <sum>, %add3A_232 masked %reduce_sum3A_238 : vector<16xf32>, vector<16xi1> -> vector<16xf32>
        %reduce_sum3A_240 = vector.extract %reduce_sum3A_239[15] : f32 from vector<16xf32>
        %mul3A_241 = arith.constant 1.562500e-02 : f32
        %mul3A_242 = arith.mulf %reduce_sum3A_236, %mul3A_241 : f32
        %mul3A_243 = arith.constant 1.562500e-02 : f32
        %mul3A_244 = arith.mulf %reduce_sum3A_240, %mul3A_243 : f32
        %mul3A_245 = arith.mulf %mul3A_242, %mul3A_242 : f32
        %sub3A_246 = arith.subf %mul3A_244, %mul3A_245 : f32
        %add3A_247 = arith.constant 9.99999974E-6 : f32
        %add3A_248 = arith.addf %sub3A_246, %add3A_247 : f32
        %broadcast_in_dim3A_249 = vector.broadcast %add3A_248 : f32 to vector<16xf32>
        %bitcast3A_250 = vector.bitcast %broadcast_in_dim3A_249 : vector<16xf32> to vector<16xi32>
        %shift_right_arithmetic3A_251 = arith.constant 1 : i32
        %shift_right_arithmetic3A_252 = vector.broadcast %shift_right_arithmetic3A_251 : i32 to vector<16xi32>
        %shift_right_arithmetic3A_253 = arith.shrsi %bitcast3A_250, %shift_right_arithmetic3A_252 : vector<16xi32>
        %sub3A_254 = arith.constant 1597463007 : i32
        %sub3A_255 = vector.broadcast %sub3A_254 : i32 to vector<16xi32>
        %sub3A_256 = arith.subi %sub3A_255, %shift_right_arithmetic3A_253 : vector<16xi32>
        %bitcast3A_257 = vector.bitcast %sub3A_256 : vector<16xi32> to vector<16xf32>
        %mul3A_258 = arith.constant 5.000000e-01 : f32
        %mul3A_259 = vector.broadcast %mul3A_258 : f32 to vector<16xf32>
        %mul3A_260 = arith.mulf %mul3A_259, %broadcast_in_dim3A_249 : vector<16xf32>
        %mul3A_261 = arith.mulf %mul3A_260, %bitcast3A_257 : vector<16xf32>
        %mul3A_262 = arith.mulf %mul3A_261, %bitcast3A_257 : vector<16xf32>
        %sub3A_263 = arith.constant 1.500000e+00 : f32
        %sub3A_264 = vector.broadcast %sub3A_263 : f32 to vector<16xf32>
        %sub3A_265 = arith.subf %sub3A_264, %mul3A_262 : vector<16xf32>
        %mul3A_266 = arith.mulf %bitcast3A_257, %sub3A_265 : vector<16xf32>
        %mul3A_267 = arith.constant 5.000000e-01 : f32
        %mul3A_268 = vector.broadcast %mul3A_267 : f32 to vector<16xf32>
        %mul3A_269 = arith.mulf %mul3A_268, %broadcast_in_dim3A_249 : vector<16xf32>
        %mul3A_270 = arith.mulf %mul3A_269, %mul3A_266 : vector<16xf32>
        %mul3A_271 = arith.mulf %mul3A_270, %mul3A_266 : vector<16xf32>
        %sub3A_272 = arith.constant 1.500000e+00 : f32
        %sub3A_273 = vector.broadcast %sub3A_272 : f32 to vector<16xf32>
        %sub3A_274 = arith.subf %sub3A_273, %mul3A_271 : vector<16xf32>
        %mul3A_275 = arith.mulf %mul3A_266, %sub3A_274 : vector<16xf32>
        %sub3A_276 = vector.broadcast %mul3A_242 : f32 to vector<16xf32>
        %sub3A_277 = arith.subf %get3A_213, %sub3A_276 : vector<16xf32>
        %mul3A_278 = arith.mulf %sub3A_277, %mul3A_275 : vector<16xf32>
        %mul3A_279 = arith.mulf %mul3A_278, %get3A_3 : vector<16xf32>
        %add3A_280 = arith.addf %mul3A_279, %get3A_11 : vector<16xf32>
        %swap3A_281 = arith.index_cast %add3A_210 : i32 to index
        %swap3A_282 = arith.constant 0 : index
        %swap3A_283 = tpu.vector_load %arg11[%swap3A_281, %swap3A_282] {strides = array<i32>} : memref<128x128xf32, #tpu.memory_space<vmem>>, vector<16xf32>,
        tpu.vector_store %arg11[%swap3A_281, %swap3A_282], %add3A_280 {strides = array<i32>} : memref<128x128xf32, #tpu.memory_space<vmem>>, vector<16xf32>,
        %sub3A_284 = vector.broadcast %mul3A_242 : f32 to vector<16xf32>
        %sub3A_285 = arith.subf %get3A_216, %sub3A_284 : vector<16xf32>
        %mul3A_286 = arith.mulf %sub3A_285, %mul3A_275 : vector<16xf32>
        %mul3A_287 = arith.mulf %mul3A_286, %get3A_5 : vector<16xf32>
        %add3A_288 = arith.addf %mul3A_287, %get3A_13 : vector<16xf32>
        %swap3A_289 = arith.index_cast %add3A_210 : i32 to index
        %swap3A_290 = arith.constant 16 : index
        %swap3A_291 = tpu.vector_load %arg11[%swap3A_289, %swap3A_290] {strides = array<i32>} : memref<128x128xf32, #tpu.memory_space<vmem>>, vector<16xf32>,
        tpu.vector_store %arg11[%swap3A_289, %swap3A_290], %add3A_288 {strides = array<i32>} : memref<128x128xf32, #tpu.memory_space<vmem>>, vector<16xf32>,
        %sub3A_292 = vector.broadcast %mul3A_242 : f32 to vector<16xf32>
        %sub3A_293 = arith.subf %get3A_219, %sub3A_292 : vector<16xf32>
        %mul3A_294 = arith.mulf %sub3A_293, %mul3A_275 : vector<16xf32>
        %mul3A_295 = arith.mulf %mul3A_294, %get3A_7 : vector<16xf32>
        %add3A_296 = arith.addf %mul3A_295, %get3A_15 : vector<16xf32>
        %swap3A_297 = arith.index_cast %add3A_210 : i32 to index
        %swap3A_298 = arith.constant 32 : index
        %swap3A_299 = tpu.vector_load %arg11[%swap3A_297, %swap3A_298] {strides = array<i32>} : memref<128x128xf32, #tpu.memory_space<vmem>>, vector<16xf32>,
        tpu.vector_store %arg11[%swap3A_297, %swap3A_298], %add3A_296 {strides = array<i32>} : memref<128x128xf32, #tpu.memory_space<vmem>>, vector<16xf32>,
        %sub3A_300 = vector.broadcast %mul3A_242 : f32 to vector<16xf32>
        %sub3A_301 = arith.subf %get3A_222, %sub3A_300 : vector<16xf32>
        %mul3A_302 = arith.mulf %sub3A_301, %mul3A_275 : vector<16xf32>
        %mul3A_303 = arith.mulf %mul3A_302, %get3A_9 : vector<16xf32>
        %add3A_304 = arith.addf %mul3A_303, %get3A_17 : vector<16xf32>
        %swap3A_305 = arith.index_cast %add3A_210 : i32 to index
        %swap3A_306 = arith.constant 48 : index
        %swap3A_307 = tpu.vector_load %arg11[%swap3A_305, %swap3A_306] {strides = array<i32>} : memref<128x128xf32, #tpu.memory_space<vmem>>, vector<16xf32>,
        tpu.vector_store %arg11[%swap3A_305, %swap3A_306], %add3A_304 {strides = array<i32>} : memref<128x128xf32, #tpu.memory_space<vmem>>, vector<16xf32>,
        %add3A_308 = arith.constant 2 : i32
        %add3A_309 = arith.addi %add3A_115, %add3A_308 : i32
        %get3A_310 = arith.index_cast %add3A_309 : i32 to index
        %get3A_311 = arith.constant 0 : index
        %get3A_312 = tpu.vector_load %arg9[%get3A_310, %get3A_311] {strides = array<i32>} : memref<128x128xf32, #tpu.memory_space<vmem>>, vector<16xf32>,
        %get3A_313 = arith.index_cast %add3A_309 : i32 to index
        %get3A_314 = arith.constant 16 : index
        %get3A_315 = tpu.vector_load %arg9[%get3A_313, %get3A_314] {strides = array<i32>} : memref<128x128xf32, #tpu.memory_space<vmem>>, vector<16xf32>,
        %get3A_316 = arith.index_cast %add3A_309 : i32 to index
        %get3A_317 = arith.constant 32 : index
        %get3A_318 = tpu.vector_load %arg9[%get3A_316, %get3A_317] {strides = array<i32>} : memref<128x128xf32, #tpu.memory_space<vmem>>, vector<16xf32>,
        %get3A_319 = arith.index_cast %add3A_309 : i32 to index
        %get3A_320 = arith.constant 48 : index
        %get3A_321 = tpu.vector_load %arg9[%get3A_319, %get3A_320] {strides = array<i32>} : memref<128x128xf32, #tpu.memory_space<vmem>>, vector<16xf32>,
        %add3A_322 = arith.addf %get3A_312, %get3A_315 : vector<16xf32>
        %add3A_323 = arith.addf %get3A_318, %get3A_321 : vector<16xf32>
        %add3A_324 = arith.addf %add3A_322, %add3A_323 : vector<16xf32>
        %mul3A_325 = arith.mulf %get3A_312, %get3A_312 : vector<16xf32>
        %mul3A_326 = arith.mulf %get3A_315, %get3A_315 : vector<16xf32>
        %add3A_327 = arith.addf %mul3A_325, %mul3A_326 : vector<16xf32>
        %mul3A_328 = arith.mulf %get3A_318, %get3A_318 : vector<16xf32>
        %mul3A_329 = arith.mulf %get3A_321, %get3A_321 : vector<16xf32>
        %add3A_330 = arith.addf %mul3A_328, %mul3A_329 : vector<16xf32>
        %add3A_331 = arith.addf %add3A_327, %add3A_330 : vector<16xf32>
        %reduce_sum3A_332 = arith.constant true
        %reduce_sum3A_333 = vector.broadcast %reduce_sum3A_332 : i1 to vector<16xi1>
        %reduce_sum3A_334 = tpu.scan <sum>, %add3A_324 masked %reduce_sum3A_333 : vector<16xf32>, vector<16xi1> -> vector<16xf32>
        %reduce_sum3A_335 = vector.extract %reduce_sum3A_334[15] : f32 from vector<16xf32>
        %reduce_sum3A_336 = arith.constant true
        %reduce_sum3A_337 = vector.broadcast %reduce_sum3A_336 : i1 to vector<16xi1>
        %reduce_sum3A_338 = tpu.scan <sum>, %add3A_331 masked %reduce_sum3A_337 : vector<16xf32>, vector<16xi1> -> vector<16xf32>
        %reduce_sum3A_339 = vector.extract %reduce_sum3A_338[15] : f32 from vector<16xf32>
        %mul3A_340 = arith.constant 1.562500e-02 : f32
        %mul3A_341 = arith.mulf %reduce_sum3A_335, %mul3A_340 : f32
        %mul3A_342 = arith.constant 1.562500e-02 : f32
        %mul3A_343 = arith.mulf %reduce_sum3A_339, %mul3A_342 : f32
        %mul3A_344 = arith.mulf %mul3A_341, %mul3A_341 : f32
        %sub3A_345 = arith.subf %mul3A_343, %mul3A_344 : f32
        %add3A_346 = arith.constant 9.99999974E-6 : f32
        %add3A_347 = arith.addf %sub3A_345, %add3A_346 : f32
        %broadcast_in_dim3A_348 = vector.broadcast %add3A_347 : f32 to vector<16xf32>
        %bitcast3A_349 = vector.bitcast %broadcast_in_dim3A_348 : vector<16xf32> to vector<16xi32>
        %shift_right_arithmetic3A_350 = arith.constant 1 : i32
        %shift_right_arithmetic3A_351 = vector.broadcast %shift_right_arithmetic3A_350 : i32 to vector<16xi32>
        %shift_right_arithmetic3A_352 = arith.shrsi %bitcast3A_349, %shift_right_arithmetic3A_351 : vector<16xi32>
        %sub3A_353 = arith.constant 1597463007 : i32
        %sub3A_354 = vector.broadcast %sub3A_353 : i32 to vector<16xi32>
        %sub3A_355 = arith.subi %sub3A_354, %shift_right_arithmetic3A_352 : vector<16xi32>
        %bitcast3A_356 = vector.bitcast %sub3A_355 : vector<16xi32> to vector<16xf32>
        %mul3A_357 = arith.constant 5.000000e-01 : f32
        %mul3A_358 = vector.broadcast %mul3A_357 : f32 to vector<16xf32>
        %mul3A_359 = arith.mulf %mul3A_358, %broadcast_in_dim3A_348 : vector<16xf32>
        %mul3A_360 = arith.mulf %mul3A_359, %bitcast3A_356 : vector<16xf32>
        %mul3A_361 = arith.mulf %mul3A_360, %bitcast3A_356 : vector<16xf32>
        %sub3A_362 = arith.constant 1.500000e+00 : f32
        %sub3A_363 = vector.broadcast %sub3A_362 : f32 to vector<16xf32>
        %sub3A_364 = arith.subf %sub3A_363, %mul3A_361 : vector<16xf32>
        %mul3A_365 = arith.mulf %bitcast3A_356, %sub3A_364 : vector<16xf32>
        %mul3A_366 = arith.constant 5.000000e-01 : f32
        %mul3A_367 = vector.broadcast %mul3A_366 : f32 to vector<16xf32>
        %mul3A_368 = arith.mulf %mul3A_367, %broadcast_in_dim3A_348 : vector<16xf32>
        %mul3A_369 = arith.mulf %mul3A_368, %mul3A_365 : vector<16xf32>
        %mul3A_370 = arith.mulf %mul3A_369, %mul3A_365 : vector<16xf32>
        %sub3A_371 = arith.constant 1.500000e+00 : f32
        %sub3A_372 = vector.broadcast %sub3A_371 : f32 to vector<16xf32>
        %sub3A_373 = arith.subf %sub3A_372, %mul3A_370 : vector<16xf32>
        %mul3A_374 = arith.mulf %mul3A_365, %sub3A_373 : vector<16xf32>
        %sub3A_375 = vector.broadcast %mul3A_341 : f32 to vector<16xf32>
        %sub3A_376 = arith.subf %get3A_312, %sub3A_375 : vector<16xf32>
        %mul3A_377 = arith.mulf %sub3A_376, %mul3A_374 : vector<16xf32>
        %mul3A_378 = arith.mulf %mul3A_377, %get3A_3 : vector<16xf32>
        %add3A_379 = arith.addf %mul3A_378, %get3A_11 : vector<16xf32>
        %swap3A_380 = arith.index_cast %add3A_309 : i32 to index
        %swap3A_381 = arith.constant 0 : index
        %swap3A_382 = tpu.vector_load %arg11[%swap3A_380, %swap3A_381] {strides = array<i32>} : memref<128x128xf32, #tpu.memory_space<vmem>>, vector<16xf32>,
        tpu.vector_store %arg11[%swap3A_380, %swap3A_381], %add3A_379 {strides = array<i32>} : memref<128x128xf32, #tpu.memory_space<vmem>>, vector<16xf32>,
        %sub3A_383 = vector.broadcast %mul3A_341 : f32 to vector<16xf32>
        %sub3A_384 = arith.subf %get3A_315, %sub3A_383 : vector<16xf32>
        %mul3A_385 = arith.mulf %sub3A_384, %mul3A_374 : vector<16xf32>
        %mul3A_386 = arith.mulf %mul3A_385, %get3A_5 : vector<16xf32>
        %add3A_387 = arith.addf %mul3A_386, %get3A_13 : vector<16xf32>
        %swap3A_388 = arith.index_cast %add3A_309 : i32 to index
        %swap3A_389 = arith.constant 16 : index
        %swap3A_390 = tpu.vector_load %arg11[%swap3A_388, %swap3A_389] {strides = array<i32>} : memref<128x128xf32, #tpu.memory_space<vmem>>, vector<16xf32>,
        tpu.vector_store %arg11[%swap3A_388, %swap3A_389], %add3A_387 {strides = array<i32>} : memref<128x128xf32, #tpu.memory_space<vmem>>, vector<16xf32>,
        %sub3A_391 = vector.broadcast %mul3A_341 : f32 to vector<16xf32>
        %sub3A_392 = arith.subf %get3A_318, %sub3A_391 : vector<16xf32>
        %mul3A_393 = arith.mulf %sub3A_392, %mul3A_374 : vector<16xf32>
        %mul3A_394 = arith.mulf %mul3A_393, %get3A_7 : vector<16xf32>
        %add3A_395 = arith.addf %mul3A_394, %get3A_15 : vector<16xf32>
        %swap3A_396 = arith.index_cast %add3A_309 : i32 to index
        %swap3A_397 = arith.constant 32 : index
        %swap3A_398 = tpu.vector_load %arg11[%swap3A_396, %swap3A_397] {strides = array<i32>} : memref<128x128xf32, #tpu.memory_space<vmem>>, vector<16xf32>,
        tpu.vector_store %arg11[%swap3A_396, %swap3A_397], %add3A_395 {strides = array<i32>} : memref<128x128xf32, #tpu.memory_space<vmem>>, vector<16xf32>,
        %sub3A_399 = vector.broadcast %mul3A_341 : f32 to vector<16xf32>
        %sub3A_400 = arith.subf %get3A_321, %sub3A_399 : vector<16xf32>
        %mul3A_401 = arith.mulf %sub3A_400, %mul3A_374 : vector<16xf32>
        %mul3A_402 = arith.mulf %mul3A_401, %get3A_9 : vector<16xf32>
        %add3A_403 = arith.addf %mul3A_402, %get3A_17 : vector<16xf32>
        %swap3A_404 = arith.index_cast %add3A_309 : i32 to index
        %swap3A_405 = arith.constant 48 : index
        %swap3A_406 = tpu.vector_load %arg11[%swap3A_404, %swap3A_405] {strides = array<i32>} : memref<128x128xf32, #tpu.memory_space<vmem>>, vector<16xf32>,
        tpu.vector_store %arg11[%swap3A_404, %swap3A_405], %add3A_403 {strides = array<i32>} : memref<128x128xf32, #tpu.memory_space<vmem>>, vector<16xf32>,
        %add3A_407 = arith.constant 3 : i32
        %add3A_408 = arith.addi %add3A_115, %add3A_407 : i32
        %get3A_409 = arith.index_cast %add3A_408 : i32 to index
        %get3A_410 = arith.constant 0 : index
        %get3A_411 = tpu.vector_load %arg9[%get3A_409, %get3A_410] {strides = array<i32>} : memref<128x128xf32, #tpu.memory_space<vmem>>, vector<16xf32>,
        %get3A_412 = arith.index_cast %add3A_408 : i32 to index
        %get3A_413 = arith.constant 16 : index
        %get3A_414 = tpu.vector_load %arg9[%get3A_412, %get3A_413] {strides = array<i32>} : memref<128x128xf32, #tpu.memory_space<vmem>>, vector<16xf32>,
        %get3A_415 = arith.index_cast %add3A_408 : i32 to index
        %get3A_416 = arith.constant 32 : index
        %get3A_417 = tpu.vector_load %arg9[%get3A_415, %get3A_416] {strides = array<i32>} : memref<128x128xf32, #tpu.memory_space<vmem>>, vector<16xf32>,
        %get3A_418 = arith.index_cast %add3A_408 : i32 to index
        %get3A_419 = arith.constant 48 : index
        %get3A_420 = tpu.vector_load %arg9[%get3A_418, %get3A_419] {strides = array<i32>} : memref<128x128xf32, #tpu.memory_space<vmem>>, vector<16xf32>,
        %add3A_421 = arith.addf %get3A_411, %get3A_414 : vector<16xf32>
        %add3A_422 = arith.addf %get3A_417, %get3A_420 : vector<16xf32>
        %add3A_423 = arith.addf %add3A_421, %add3A_422 : vector<16xf32>
        %mul3A_424 = arith.mulf %get3A_411, %get3A_411 : vector<16xf32>
        %mul3A_425 = arith.mulf %get3A_414, %get3A_414 : vector<16xf32>
        %add3A_426 = arith.addf %mul3A_424, %mul3A_425 : vector<16xf32>
        %mul3A_427 = arith.mulf %get3A_417, %get3A_417 : vector<16xf32>
        %mul3A_428 = arith.mulf %get3A_420, %get3A_420 : vector<16xf32>
        %add3A_429 = arith.addf %mul3A_427, %mul3A_428 : vector<16xf32>
        %add3A_430 = arith.addf %add3A_426, %add3A_429 : vector<16xf32>
        %reduce_sum3A_431 = arith.constant true
        %reduce_sum3A_432 = vector.broadcast %reduce_sum3A_431 : i1 to vector<16xi1>
        %reduce_sum3A_433 = tpu.scan <sum>, %add3A_423 masked %reduce_sum3A_432 : vector<16xf32>, vector<16xi1> -> vector<16xf32>
        %reduce_sum3A_434 = vector.extract %reduce_sum3A_433[15] : f32 from vector<16xf32>
        %reduce_sum3A_435 = arith.constant true
        %reduce_sum3A_436 = vector.broadcast %reduce_sum3A_435 : i1 to vector<16xi1>
        %reduce_sum3A_437 = tpu.scan <sum>, %add3A_430 masked %reduce_sum3A_436 : vector<16xf32>, vector<16xi1> -> vector<16xf32>
        %reduce_sum3A_438 = vector.extract %reduce_sum3A_437[15] : f32 from vector<16xf32>
        %mul3A_439 = arith.constant 1.562500e-02 : f32
        %mul3A_440 = arith.mulf %reduce_sum3A_434, %mul3A_439 : f32
        %mul3A_441 = arith.constant 1.562500e-02 : f32
        %mul3A_442 = arith.mulf %reduce_sum3A_438, %mul3A_441 : f32
        %mul3A_443 = arith.mulf %mul3A_440, %mul3A_440 : f32
        %sub3A_444 = arith.subf %mul3A_442, %mul3A_443 : f32
        %add3A_445 = arith.constant 9.99999974E-6 : f32
        %add3A_446 = arith.addf %sub3A_444, %add3A_445 : f32
        %broadcast_in_dim3A_447 = vector.broadcast %add3A_446 : f32 to vector<16xf32>
        %bitcast3A_448 = vector.bitcast %broadcast_in_dim3A_447 : vector<16xf32> to vector<16xi32>
        %shift_right_arithmetic3A_449 = arith.constant 1 : i32
        %shift_right_arithmetic3A_450 = vector.broadcast %shift_right_arithmetic3A_449 : i32 to vector<16xi32>
        %shift_right_arithmetic3A_451 = arith.shrsi %bitcast3A_448, %shift_right_arithmetic3A_450 : vector<16xi32>
        %sub3A_452 = arith.constant 1597463007 : i32
        %sub3A_453 = vector.broadcast %sub3A_452 : i32 to vector<16xi32>
        %sub3A_454 = arith.subi %sub3A_453, %shift_right_arithmetic3A_451 : vector<16xi32>
        %bitcast3A_455 = vector.bitcast %sub3A_454 : vector<16xi32> to vector<16xf32>
        %mul3A_456 = arith.constant 5.000000e-01 : f32
        %mul3A_457 = vector.broadcast %mul3A_456 : f32 to vector<16xf32>
        %mul3A_458 = arith.mulf %mul3A_457, %broadcast_in_dim3A_447 : vector<16xf32>
        %mul3A_459 = arith.mulf %mul3A_458, %bitcast3A_455 : vector<16xf32>
        %mul3A_460 = arith.mulf %mul3A_459, %bitcast3A_455 : vector<16xf32>
        %sub3A_461 = arith.constant 1.500000e+00 : f32
        %sub3A_462 = vector.broadcast %sub3A_461 : f32 to vector<16xf32>
        %sub3A_463 = arith.subf %sub3A_462, %mul3A_460 : vector<16xf32>
        %mul3A_464 = arith.mulf %bitcast3A_455, %sub3A_463 : vector<16xf32>
        %mul3A_465 = arith.constant 5.000000e-01 : f32
        %mul3A_466 = vector.broadcast %mul3A_465 : f32 to vector<16xf32>
        %mul3A_467 = arith.mulf %mul3A_466, %broadcast_in_dim3A_447 : vector<16xf32>
        %mul3A_468 = arith.mulf %mul3A_467, %mul3A_464 : vector<16xf32>
        %mul3A_469 = arith.mulf %mul3A_468, %mul3A_464 : vector<16xf32>
        %sub3A_470 = arith.constant 1.500000e+00 : f32
        %sub3A_471 = vector.broadcast %sub3A_470 : f32 to vector<16xf32>
        %sub3A_472 = arith.subf %sub3A_471, %mul3A_469 : vector<16xf32>
        %mul3A_473 = arith.mulf %mul3A_464, %sub3A_472 : vector<16xf32>
        %sub3A_474 = vector.broadcast %mul3A_440 : f32 to vector<16xf32>
        %sub3A_475 = arith.subf %get3A_411, %sub3A_474 : vector<16xf32>
        %mul3A_476 = arith.mulf %sub3A_475, %mul3A_473 : vector<16xf32>
        %mul3A_477 = arith.mulf %mul3A_476, %get3A_3 : vector<16xf32>
        %add3A_478 = arith.addf %mul3A_477, %get3A_11 : vector<16xf32>
        %swap3A_479 = arith.index_cast %add3A_408 : i32 to index
        %swap3A_480 = arith.constant 0 : index
        %swap3A_481 = tpu.vector_load %arg11[%swap3A_479, %swap3A_480] {strides = array<i32>} : memref<128x128xf32, #tpu.memory_space<vmem>>, vector<16xf32>,
        tpu.vector_store %arg11[%swap3A_479, %swap3A_480], %add3A_478 {strides = array<i32>} : memref<128x128xf32, #tpu.memory_space<vmem>>, vector<16xf32>,
        %sub3A_482 = vector.broadcast %mul3A_440 : f32 to vector<16xf32>
        %sub3A_483 = arith.subf %get3A_414, %sub3A_482 : vector<16xf32>
        %mul3A_484 = arith.mulf %sub3A_483, %mul3A_473 : vector<16xf32>
        %mul3A_485 = arith.mulf %mul3A_484, %get3A_5 : vector<16xf32>
        %add3A_486 = arith.addf %mul3A_485, %get3A_13 : vector<16xf32>
        %swap3A_487 = arith.index_cast %add3A_408 : i32 to index
        %swap3A_488 = arith.constant 16 : index
        %swap3A_489 = tpu.vector_load %arg11[%swap3A_487, %swap3A_488] {strides = array<i32>} : memref<128x128xf32, #tpu.memory_space<vmem>>, vector<16xf32>,
        tpu.vector_store %arg11[%swap3A_487, %swap3A_488], %add3A_486 {strides = array<i32>} : memref<128x128xf32, #tpu.memory_space<vmem>>, vector<16xf32>,
        %sub3A_490 = vector.broadcast %mul3A_440 : f32 to vector<16xf32>
        %sub3A_491 = arith.subf %get3A_417, %sub3A_490 : vector<16xf32>
        %mul3A_492 = arith.mulf %sub3A_491, %mul3A_473 : vector<16xf32>
        %mul3A_493 = arith.mulf %mul3A_492, %get3A_7 : vector<16xf32>
        %add3A_494 = arith.addf %mul3A_493, %get3A_15 : vector<16xf32>
        %swap3A_495 = arith.index_cast %add3A_408 : i32 to index
        %swap3A_496 = arith.constant 32 : index
        %swap3A_497 = tpu.vector_load %arg11[%swap3A_495, %swap3A_496] {strides = array<i32>} : memref<128x128xf32, #tpu.memory_space<vmem>>, vector<16xf32>,
        tpu.vector_store %arg11[%swap3A_495, %swap3A_496], %add3A_494 {strides = array<i32>} : memref<128x128xf32, #tpu.memory_space<vmem>>, vector<16xf32>,
        %sub3A_498 = vector.broadcast %mul3A_440 : f32 to vector<16xf32>
        %sub3A_499 = arith.subf %get3A_420, %sub3A_498 : vector<16xf32>
        %mul3A_500 = arith.mulf %sub3A_499, %mul3A_473 : vector<16xf32>
        %mul3A_501 = arith.mulf %mul3A_500, %get3A_9 : vector<16xf32>
        %add3A_502 = arith.addf %mul3A_501, %get3A_17 : vector<16xf32>
        %swap3A_503 = arith.index_cast %add3A_408 : i32 to index
        %swap3A_504 = arith.constant 48 : index
        %swap3A_505 = tpu.vector_load %arg11[%swap3A_503, %swap3A_504] {strides = array<i32>} : memref<128x128xf32, #tpu.memory_space<vmem>>, vector<16xf32>,
        tpu.vector_store %arg11[%swap3A_503, %swap3A_504], %add3A_502 {strides = array<i32>} : memref<128x128xf32, #tpu.memory_space<vmem>>, vector<16xf32>,
      }
      %scan3A_96 = arith.constant 32 : i32
      %add3A_97 = arith.addi %mul3A_2, %add3A_80 : i32
      %mul3A_98 = arith.constant 128 : i32
      %mul3A_99 = arith.muli %add3A_97, %mul3A_98 : i32
      %dma_start3A_100 = arith.constant 0 : i32
      %dma_start3A_101 = tpu.memref_slice %arg6[%mul3A_99, %dma_start3A_100] : memref<819200x128xf32, #tpu.memory_space<hbm>> -> memref<128x128xf32, #tpu.memory_space<hbm>>
      %dma_start3A_102 = arith.constant 0 : i32
      %dma_start3A_103 = tpu.memref_slice %arg6[%mul3A_99, %dma_start3A_102] : memref<819200x128xf32, #tpu.memory_space<hbm>> -> memref<128x128xf32, #tpu.memory_space<hbm>>
      tpu.enqueue_dma source(%arg11 : memref<128x128xf32, #tpu.memory_space<vmem>>) target(%dma_start3A_103 : memref<128x128xf32, #tpu.memory_space<hbm>>) target_semaphore(%arg17 : memref<!tpu.dma_semaphore, #tpu.memory_space<semaphore_mem>>)
      %add3A_104 = arith.constant 2 : i32
      %add3A_105 = arith.addi %add3A_80, %add3A_104 : i32
      %lt3A_106 = arith.constant 200 : i32
      %lt3A_107 = arith.cmpi slt, %add3A_105, %lt3A_106 : i32
      %convert_element_type3A_108 = arith.extui %lt3A_107 : i1 to i32
      %cond3A_109 = arith.constant 0 : i32
      %cond3A_110 = arith.cmpi ne, %convert_element_type3A_108, %cond3A_109 : i32
      scf.if %cond3A_110 {
        %add3A_111 = arith.constant 2 : i32
        %add3A_112 = arith.addi %add3A_80, %add3A_111 : i32
        %dma_start3A_113 = arith.constant 0 : i32
        %dma_start3A_114 = tpu.memref_slice %arg7[%add3A_112, %dma_start3A_113] : memref<200x128xi32, #tpu.memory_space<vmem>> -> memref<1x128xi32, #tpu.memory_space<vmem>>
        %dma_start3A_115 = tpu.memref_squeeze %dma_start3A_114 : memref<1x128xi32, #tpu.memory_space<vmem>> -> memref<128xi32, #tpu.memory_space<vmem>>
        %dma_start3A_116 = arith.constant 0 : i32
        %dma_start3A_117 = arith.constant 0 : i32
        %dma_start3A_118 = tpu.memref_slice %arg3[%dma_start3A_116, %dma_start3A_117] : memref<1000000x128xf32, #tpu.memory_space<hbm>> -> memref<1000000x128xf32, #tpu.memory_space<hbm>>
        tpu.enqueue_indirect_dma source(%dma_start3A_118 : memref<1000000x128xf32, #tpu.memory_space<hbm>>) target(%arg9 : memref<128x128xf32, #tpu.memory_space<vmem>>) offsets(%dma_start3A_115 : memref<128xi32, #tpu.memory_space<vmem>>) semaphore(%arg15 : memref<!tpu.dma_semaphore, #tpu.memory_space<semaphore_mem>>)
      } else {
      }
    }
    %scan3A_34 = arith.constant 100 : i32
    %dma_wait3A = arith.constant 0 : i32
    %dma_wait3A_35 = arith.constant 0 : i32
    %dma_wait3A_36 = tpu.memref_slice %arg6[%dma_wait3A, %dma_wait3A_35] : memref<819200x128xf32, #tpu.memory_space<hbm>> -> memref<128x128xf32, #tpu.memory_space<hbm>>
    %dma_wait3A_37 = arith.constant 0 : i32
    %dma_wait3A_38 = arith.constant 0 : i32
    %dma_wait3A_39 = tpu.memref_slice %arg6[%dma_wait3A_37, %dma_wait3A_38] : memref<819200x128xf32, #tpu.memory_space<hbm>> -> memref<128x128xf32, #tpu.memory_space<hbm>>
    tpu.wait_dma2 semaphore(%arg16 : memref<!tpu.dma_semaphore, #tpu.memory_space<semaphore_mem>>) src(%arg10 : memref<128x128xf32, #tpu.memory_space<vmem>>) dst(%dma_wait3A_39 : memref<128x128xf32, #tpu.memory_space<hbm>>)
    %dma_wait3A_40 = arith.constant 0 : i32
    %dma_wait3A_41 = arith.constant 0 : i32
    %dma_wait3A_42 = tpu.memref_slice %arg6[%dma_wait3A_40, %dma_wait3A_41] : memref<819200x128xf32, #tpu.memory_space<hbm>> -> memref<128x128xf32, #tpu.memory_space<hbm>>
    %dma_wait3A_43 = arith.constant 0 : i32
    %dma_wait3A_44 = arith.constant 0 : i32
    %dma_wait3A_45 = tpu.memref_slice %arg6[%dma_wait3A_43, %dma_wait3A_44] : memref<819200x128xf32, #tpu.memory_space<hbm>> -> memref<128x128xf32, #tpu.memory_space<hbm>>
    tpu.wait_dma2 semaphore(%arg17 : memref<!tpu.dma_semaphore, #tpu.memory_space<semaphore_mem>>) src(%arg11 : memref<128x128xf32, #tpu.memory_space<vmem>>) dst(%dma_wait3A_45 : memref<128x128xf32, #tpu.memory_space<hbm>>)
    return
  }
}

</mosaic_0001>

<sc_bundles>
// kernel: kernel.3.cloned.1.call-start
scs
__scs_entry_jumppad:
0x0: {  	(pc) =	sbr.rel $0x88, $3  }
0x1: {  	(tag) =	ssettag $0x0;
	lr =	simm.s32 $0x1  }
0x2: {  	[smem:$0x3F9D] =	sst lr;
	_ =	strace $0xD0000000  }
0x3: {  	_ = 	snop  }
0x4: {  	_ = 	snop  }
0x5: {  	_ = 	snop  }
0x6: {  	_ = 	snop  }
0x7: {  	_ = 	snop  }
__scs_overlays_trampoline_lowered:
0x8: {  	[smem:$0x3FAC] =	sst s0  }
0x9: {  	[smem:$0x3FAD] =	sst s1  }
0xa: {  	[smem:$0x3FAE] =	sst s2  }
0xb: {  	[smem:$0x3FAF] =	sst s3  }
0xc: {  	[smem:$0x3FB0] =	sst s4  }
0xd: {  	[smem:$0x3FB1] =	sst s5  }
0xe: {  	[smem:$0x3FB2] =	sst s6  }
0xf: {  	[smem:$0x3FB3] =	sst s7  }
0x10: {  	[smem:$0x3FB4] =	sst s8  }
0x11: {  	[smem:$0x3FB5] =	sst s9;
	s0 =	simm.s32 @!p0 $0x0  }
0x12: {  	s1 =	sld [smem:$0x3F9B];
	s0 =	simm.s32 @p0 $0x1  }
0x13: {  	[smem:$0x3FB6] =	sst s0;
	s0 =	simm.s32 @!p1 $0x0  }
0x14: {  	s2 =	sld [smem:$0x3F9A];
	s0 =	simm.s32 @p1 $0x1  }
0x15: {  	[smem:$0x3FB7] =	sst s0;
	s0 =	simm.s32 @!p2 $0x0  }
0x16: {  	s3 =	sld [smem:$0x3FDB];
	s0 =	simm.s32 @p2 $0x1  }
0x17: {  	s4 =	simm.s32 $0x1BF5;
	[smem:$0x3FB9] =	sst s0  }
0x18: {  	s0 =	sld [smem:$0x3F9C];
	_ =	swait.ge [sflag:s4], $0x0  }
0x19: {  	s7 =	sld [smem:$0x3F9D]  }
0x1a: {  	s8 =	sadd.s32 $0xFFFFE003, lr  }
0x1b: {  	s9 =	sadd.s32 $0xFFFFFEF7, lr;
	s5 =	simm.s32 $0xFFFFFFFF;
	p2 =	slt.u32 s8, $0xFFFFF086  }
0x1c: {  	p1 =	slt.u32 s9, $0xF7A;
	s5 =	simm.s32 @!p2 $0x0  }
0x1d: {  	s5 =	simm.s32 @p1 $0x1;
	p0 =	seq.s32 s7, s2  }
0x1e: {  	s7 =	smul.u32 @!p0 $0xF7A, s2;
	p2 =	seq.s32 @!p0 s5, $0x0  }
0x1f: {  	s9 =	smul.u32 $0xF7A, s1;
	s8 =	simm.s32 @!p0 $0x1BF5;
	p2 =	por !p2, p0  }
0x20: {  	[sflag:s8] =	ssyncset.s32 @!p0 $0xFFFFF086;
	s6 =	sadd.s32 @!p0 s3, s7;
	s7 =	simm.s32 @!p0 $0x108  }
0x21: {  	s3 =	sadd.s32 s3, s9;
	s6 =	sadd.s32 @!p0 $0x88, s6;
	s7 =	simm.s32 @p2 $0x1082  }
0x22: {  	[simem:s7], [sflag:s8] =	dma.local @!p0 [hbm:s6], $0xF7A  }
0x23: {  	s9 =	sor.u32 $0xD0000000, s2;
	s6 =	simm.s32 $0x108;
	_ =	swait.ge @!p0 [sflag:s8], $0x0  }
0x24: {  	s3 =	sadd.s32 $0x88, s3;
	s6 =	simm.s32 @!p1 $0x1082;
	[sflag:s4] =	ssyncset.s32 $0xFFFFF086  }
0x25: {  	[simem:s6], [sflag:s4] =	dma.local [hbm:s3], $0xF7A  }
0x26: {  	[smem:$0x3F9D] =	sst s1;
	(tag) =	ssettag s2;
	_ =	strace s9  }
0x27: {  	s1 =	sld [smem:$0x3FAD]  }
0x28: {  	s2 =	sld [smem:$0x3FAE]  }
0x29: {  	s4 =	sld [smem:$0x3FB0]  }
0x2a: {  	p0 =	seq.s32 s5, $0x0;
	s5 =	sld [smem:$0x3FB1]  }
0x2b: {  	s6 =	sld [smem:$0x3FB2]  }
0x2c: {  	s7 =	sld [smem:$0x3FB3]  }
0x2d: {  	s3 =	simm.s32 $0x108;
	s8 =	sld [smem:$0x3FB4]  }
0x2e: {  	s3 =	simm.s32 @!p0 $0x1082;
	s9 =	sld [smem:$0x3FB5]  }
0x2f: {  	lr =	sadd.s32 s0, s3;
	s0 =	sld [smem:$0x3FAC]  }
0x30: {  	s3 =	sld [smem:$0x3FAF]  }
0x31: {  	[smem:$0x3FB8] =	sst s10  }
0x32: {  	s10 =	sld [smem:$0x3FB6];
	_ =	sdelay $0x3  }
0x33: {  	p0 =	seq.s32 s10, $0x1;
	s10 =	sld [smem:$0x3FB8];
	_ =	sdelay $0x3  }
0x34: {  	[smem:$0x3FB8] =	sst s10  }
0x35: {  	s10 =	sld [smem:$0x3FB7];
	_ =	sdelay $0x3  }
0x36: {  	p1 =	seq.s32 s10, $0x1;
	s10 =	sld [smem:$0x3FB8];
	_ =	sdelay $0x3  }
0x37: {  	[smem:$0x3FB8] =	sst s10  }
0x38: {  	s10 =	sld [smem:$0x3FB9]  }
0x39: {  	_ = 	snop;
	(pc) =	sbr.ind lr, $3  }
0x3a: {  	_ = 	snop  }
0x3b: {  	_ = 	snop  }
0x3c: {  	p2 =	seq.s32 s10, $0x1;
	s10 =	sld [smem:$0x3FB8]  }
0x3d: {  	_ =	shalt  }
0x3e: {  	_ =	shalt  }
0x3f: {  	_ =	shalt  }
0x40: {  	_ =	shalt  }
0x41: {  	_ =	shalt  }
0x42: {  	_ =	shalt  }
0x43: {  	_ =	shalt  }
0x44: {  	_ =	shalt  }
0x45: {  	_ =	shalt  }
0x46: {  	_ =	shalt  }
0x47: {  	_ =	shalt  }
0x48: {  	_ =	shalt  }
0x49: {  	_ =	shalt  }
0x4a: {  	_ =	shalt  }
0x4b: {  	_ =	shalt  }
0x4c: {  	_ =	shalt  }
0x4d: {  	_ =	shalt  }
0x4e: {  	_ =	shalt  }
0x4f: {  	_ =	shalt  }
0x50: {  	_ =	shalt  }
0x51: {  	_ =	shalt  }
0x52: {  	_ =	shalt  }
0x53: {  	_ =	shalt  }
0x54: {  	_ =	shalt  }
0x55: {  	_ =	shalt  }
0x56: {  	_ =	shalt  }
0x57: {  	_ =	shalt  }
0x58: {  	_ =	shalt  }
0x59: {  	_ =	shalt  }
0x5a: {  	_ =	shalt  }
0x5b: {  	_ =	shalt  }
0x5c: {  	_ =	shalt  }
0x5d: {  	_ =	shalt  }
0x5e: {  	_ =	shalt  }
0x5f: {  	_ =	shalt  }
0x60: {  	_ =	shalt  }
0x61: {  	_ =	shalt  }
0x62: {  	_ =	shalt  }
0x63: {  	_ =	shalt  }
0x64: {  	_ =	shalt  }
0x65: {  	_ =	shalt  }
0x66: {  	_ =	shalt  }
0x67: {  	_ =	shalt  }
0x68: {  	_ =	shalt  }
0x69: {  	_ =	shalt  }
0x6a: {  	_ =	shalt  }
0x6b: {  	_ =	shalt  }
0x6c: {  	_ =	shalt  }
0x6d: {  	_ =	shalt  }
0x6e: {  	_ =	shalt  }
0x6f: {  	_ =	shalt  }
0x70: {  	_ =	shalt  }
0x71: {  	_ =	shalt  }
0x72: {  	_ =	shalt  }
0x73: {  	_ =	shalt  }
0x74: {  	_ =	shalt  }
0x75: {  	_ =	shalt  }
0x76: {  	_ =	shalt  }
0x77: {  	_ =	shalt  }
0x78: {  	_ =	shalt  }
0x79: {  	_ =	shalt  }
0x7a: {  	_ =	shalt  }
0x7b: {  	_ =	shalt  }
0x7c: {  	_ =	shalt  }
0x7d: {  	_ =	shalt  }
0x7e: {  	_ =	shalt  }
0x7f: {  	_ =	shalt  }
0x80: {  	_ =	shalt  }
0x81: {  	_ =	shalt  }
0x82: {  	_ =	shalt  }
0x83: {  	_ =	shalt  }
0x84: {  	_ =	shalt  }
0x85: {  	_ =	shalt  }
0x86: {  	_ =	shalt  }
0x87: {  	_ =	shalt  }
.Lfunc_end0:
.L_simem_size_0:
called_computation.1_lowered:
.L_overlay_start_0:
0x88: {  	s2 =	sld [smem:$0x3FD9]  }
0x89: {  	s3 =	sld [smem:$0x3FFE];
	_ =	sdelay $0x1  }
0x8a: {  	s1 =	srdreg.scid  }
0x8b: {  	s0 =	sand.u32 $0x1, s1  }
0x8c: {  	s17 =	sshll.u32 s0, $0xA;
	s2 =	sadd.s32 s3, s2  }
0x8d: {  	s2 =	sadd.s32 s2, s17  }
0x8e: {  	[smem:$0x3FC4] =	sst s2  }
0x8f: {  	_ = 	snop  }
0x90: {  	s2 =	sld [smem:$0x3FC7]  }
0x91: {  	s18 =	sld [smem:$0x3FC6]  }
0x92: {  	s4 =	sld [smem:$0x3FD0];
	(tm) =	ssettm $0x1  }
0x93: {  	s5 =	sld [smem:$0x3FFB];
	_ =	sdelay $0x3  }
0x94: {  	_ =	strace s5  }
0x95: {  	s5 =	sld [smem:$0x3FFC];
	_ =	sdelay $0x3  }
0x96: {  	_ =	strace s5  }
0x97: {  	s5 =	sld [smem:$0x3FFD];
	_ =	sdelay $0x3  }
0x98: {  	_ =	strace s5  }
0x99: {  	_ =	strace $0x8FFFFFFF  }
0x9a: {  	s19 =	sld [smem:$0x3FDB];
	_ =	sdelay $0x1  }
0x9b: {  	s6 =	simm.s32 $_scs_section_size  }
0x9c: {  	s7 =	simm.s32 $_size__tile_overlayer_lowered;
	s8 =	simm.s32 $_tile_overlayer_lowered  }
0x9d: {  	s22 =	simm.s32 $0x1BFF;
	s21 =	sshll.u32 s8, $0x1;
	s5 =	sadd.s32 s6, s19  }
0x9e: {  	s9 =	simm.s32 $0x0;
	s20 =	sshll.u32 s7, $0x1;
	s7 =	sadd.s32 s21, s5  }
0x9f: {  	[timem:s9], [sflag:s22] =	dma.local [hbm:s7], s20  }
0xa0: {  	_ =	swait.ge [sflag:s22], s20  }
0xa1: {  	s6 =	ssub.s32 $0x0, s20;
	[sflag:s22] =	ssyncset.done $0x0  }
0xa2: {  	[sflag:s22] =	ssyncadd.s32 s6;
	_ =	sdelay $0x1  }
0xa3: {  	s23 =	simm.s32 $0x1B8B  }
0xa4: {  	_ =	swait.ge [sflag:s23], $0x1  }
0xa5: {  	[sflag:s23] =	ssyncset.done $0x0  }
0xa6: {  	s25 =	simm.s32 $0x1B8E;
	s24 =	sld [smem:$0x3FFE];
	[sflag:s23] =	ssyncadd.s32 $0xFFFFFFFF  }
0xa7: {  	s26 =	simm.s32 $execute0_lowered;
	[smem:$0x3FD2] =	sst s25  }
0xa8: {  	s7 =	sshll.u32 s26, $0x1;
	_ =	strace $0x80000046;
	[dreg:$0x1] =	wrdreg $0xFFFFFFFF  }
0xa9: {  	s28 =	simm.s32 $_size_execute0_lowered;
	s5 =	sadd.s32 s5, s7;
	[dreg:$0x0] =	wrdreg $0x0  }
0xaa: {  	s7 =	sshll.u32 s28, $0x1;
	[dreg:$0x2] =	wrdreg s5  }
0xab: {  	[dreg:$0x3] =	wrdreg s7  }
0xac: {  	[dreg:$0x4] =	wrdreg $0xC0  }
0xad: {  	_ =	task [dreg:s9], $0x5FFFF  }
0xae: {  	[dreg:$0x1] =	wrdreg $0xFFFFFFFF  }
0xaf: {  	[dreg:$0x0] =	wrdreg $0x60  }
0xb0: {  	[dreg:$0x2] =	wrdreg s4  }
0xb1: {  	[dreg:$0x3] =	wrdreg s24  }
0xb2: {  	[dreg:$0x4] =	wrdreg s2  }
0xb3: {  	[dreg:$0x5] =	wrdreg s18  }
0xb4: {  	[dreg:$0x6] =	wrdreg $0x9  }
0xb5: {  	_ =	task.clear_ibuf [dreg:s9], $0x7FFFF;
	_ =	strace $0x90000046  }
0xb6: {  	s29 =	simm.s32 $0x9;
	_ =	strace $0x80000048  }
0xb7: {  	_ =	swait.ge [sflag:s29], $0x1  }
0xb8: {  	[sflag:s29] =	ssyncadd.s32 $0xFFFFFFFF  }
0xb9: {  	_ =	strace $0x90000048  }
0xba: {  	_ =	sfence  }
0xbb: {  	s30 =	sld [smem:$0x0];
	_ =	sdelay $0x2  }
0xbc: {  	s31 =	sshll.u32 s1, $0xD;
	s1 =	sshrl.u32 s1, $0x2  }
0xbd: {  	s3 =	sand.u32 $0x4000, s31;
	s1 =	sadd.s32 s1, s30  }
0xbe: {  	s0 =	sor.u32 s3, s0;
	s1 =	sshll.u32 s1, $0x11  }
0xbf: {  	s0 =	sor.u32 s1, s0  }
0xc0: {  	s0 =	sadd.s32 $0x8F2B, s0  }
0xc1: {  	[sflag:s0] =	ssyncadd.remote.s32 $0x1  }
0xc2: {  	_ =	sfence.sel $0xFFFF  }
0xc3: {  	[dreg:$0x0] =	wrdreg $0xFFFFFFFF;
	(pc) =	sbr.abs _section_cstart, $3  }
0xc4: {  	[dreg:$0x1] =	wrdreg $0xFFFFFFFF  }
0xc5: {  	_ =	task.clear_ibuf [dreg:s9], $0x2FFFF;
	_ =	strace $0x9FFFFFFF  }
0xc6: {  	(tm) =	ssettm $0x7FFFFFFF  }
0xc7: {  	_ =	shalt  }
tec
execute0_lowered:
.L_overlay_start_1:
0x0: {  	(tag) =	ssettag $0x1  }
0x1: {  	s0 =	rddreg [dreg:$0x0]  }
0x2: {  	s1 =	rddreg [dreg:$0x1];
	s2 =	srdreg.scid  }
0x3: {  	s4 =	simm.s32 $0x0;
	s5 =	stileid.u32;
	s11 =	simm.s32 $0x5  }
0x4: {  	s13 =	simm.s32 $0x16440;
	s14 =	simm.s32 $0x80;
	s15 =	simm.s32 $0x6400  }
0x5: {  	s16 =	simm.s32 $0xA400;
	s17 =	simm.s32 $0x1;
	s18 =	simm.s32 $0xE400  }
0x6: {  	s19 =	simm.s32 $0x2;
	s20 =	simm.s32 $0x4;
	s2 =	sand.u32 $0x1, s2  }
0x7: {  	s21 =	simm.s32 $0x12400;
	s22 =	simm.s32 $0x3;
	s3 =	sshll.u32 s2, $0x4  }
.Ltmp0:
0x8: {  	s23 =	simm.s32 $0x0;
	s3 =	sor.u32 s5, s3;
	(pc) =	sbr.rel .LBB2_1-.Ltmp0, $4  }
0x9: {  	[smem:$0x7FF] =	sst s4;
	s2 =	ssub.s32 $0x2, s2;
	s8 =	smul.u32 $0xC80, s3  }
0xa: {  	s7 =	sadd.s32 $0xA00, s1;
	s9 =	sshrl.u32 s2, $0x1;
	s6 =	smul.u32 $0xC8, s3  }
0xb: {  	_ =	strace $0x80000047;
	s5 =	sadd.s32 $0xF42E00, s1;
	s31 =	ssub.s32 s2, s9  }
0xc: {  	s10 =	smax.u32 s31, $0x1;
	s8 =	sadd.s32 s0, s8;
	s9 =	sor.u32 $0x1, s6  }
.LBB2_12:
0xd: {  	s23 =	sadd.s32 $0x1, s23  }
0xe: {  	_ =	swait.ge [sflag:s22], $0x4000;
	p0 =	sne.s32 s23, s10  }
.Ltmp1:
0xf: {  	[sflag:s22] =	ssyncset.done $0x0;
	(pc) =	sbr.rel @!p0 .LBB2_13-.Ltmp1, $4  }
0x10: {  	[sflag:s22] =	ssyncadd.s32 $0xFFFFC000  }
0x11: {  	_ =	swait.ge [sflag:s20], $0x4000  }
0x12: {  	[sflag:s20] =	ssyncset.done $0x0  }
0x13: {  	[sflag:s20] =	ssyncadd.s32 $0xFFFFC000  }
.LBB2_1:
0x14: {  	[tilespmem:s4], [sflag:$0x5] =	stream.linear.gather [hbm4b:s8+s4], $0x6400, $0x38;
	[tilespmem:$0x16480] =	vst v63  }
0x15: {  	_ =	swait.ge [sflag:s11], $0x6400  }
0x16: {  	[sflag:s11] =	ssyncset.done $0x0  }
0x17: {  	[sflag:s11] =	ssyncadd.s32 $0xFFFF9C00  }
0x18: {  	s1 =	simm.s32 $0x16400;
	s0 =	rddreg [dreg:$0x2]  }
0x19: {  	[tilespmem:s1], [sflag:$0x5] =	stream.linear.gather [hbm4b:s0+s4], $0x40, $0x38;
	[tilespmem:$0x16480] =	vst v63  }
0x1a: {  	_ =	swait.ge [sflag:s11], $0x40  }
0x1b: {  	[sflag:s11] =	ssyncset.done $0x0  }
0x1c: {  	[sflag:s11] =	ssyncadd.s32 $0xFFFFFFC0  }
0x1d: {  	s31 =	rddreg [dreg:$0x3]  }
0x1e: {  	[tilespmem:s13], [sflag:$0x5] =	stream.linear.gather [hbm4b:s31+s4], $0x40, $0x38;
	[tilespmem:$0x16480] =	vst v63  }
0x1f: {  	_ =	swait.ge [sflag:s11], $0x40  }
0x20: {  	[sflag:s11] =	ssyncset.done $0x0  }
0x21: {  	[sflag:s11] =	ssyncadd.s32 $0xFFFFFFC0  }
0x22: {  	v59 =	vld [tilespmem:$0x16400]  }
0x23: {  	v60 =	vld [tilespmem:$0x16410]  }
0x24: {  	v61 =	vld [tilespmem:$0x16420]  }
0x25: {  	v62 =	vld [tilespmem:$0x16430]  }
0x26: {  	v63 =	vld [tilespmem:$0x16440]  }
0x27: {  	v0 =	vld [tilespmem:$0x16460]  }
0x28: {  	v5 =	vld [tilespmem:$0x16450]  }
0x29: {  	v6 =	vld [tilespmem:$0x16470];
	[tilespmem:s15], [sflag:$0x1] =	stream.indirect.gather [hbm4b:s5+s14], $0x80, s4, s14, $0xb8  }
0x2a: {  	_ = 	snop  }
0x2b: {  	[tilespmem:s16], [sflag:$0x2] =	stream.indirect.gather [hbm4b:s5+s14], $0x80, s14, s14, $0xb8;
	[tilespmem:$0x16480] =	vst v63  }
0x2c: {  	[tilespmem:$0x1FFC0] =	vst v0  }
0x2d: {  	[tilespmem:$0x1FFD0] =	vst v59  }
0x2e: {  	[tilespmem:$0x1FFE0] =	vst v60  }
0x2f: {  	s24 =	simm.s32 $0x0;
	[tilespmem:$0x1FFF0] =	vst v61  }
.LBB2_2:
0x30: {  	_ =	swait.ge [sflag:s17], $0x4000  }
0x31: {  	p0 =	seq.s32 s24, $0x0;
	[sflag:s17] =	ssyncset.done $0x0  }
0x32: {  	s0 =	simm.s32 @!p0 $0x3;
	[sflag:s17] =	ssyncadd.s32 $0xFFFFC000  }
0x33: {  	_ =	swait.ge @!p0 [sflag:s0], $0x4000  }
0x34: {  	[sflag:s0] =	ssyncset.done @!p0 $0x0  }
0x35: {  	s26 =	simm.s32 $0x0;
	[sflag:s0] =	ssyncadd.s32 @!p0 $0xFFFFC000  }
0x36: {  	v14 =	vld [tilespmem:s26+$0x6580]  }
0x37: {  	v13 =	vld [tilespmem:s26+$0x6590]  }
0x38: {  	v12 =	vld [tilespmem:s26+$0x65A0]  }
0x39: {  	v25 =	vld [tilespmem:s26+$0x65B0];
	_ =	sdelay $0x3  }
0x3a: {  	v8 =	vmul.f32 v14, v14;
	v9 =	vmul.f32 v13, v13  }
0x3b: {  	v10 =	vmul.f32 v12, v12;
	v11 =	vmul.f32 v25, v25  }
0x3c: {  	v15 =	vadd.f32 v13, v14;
	v16 =	vadd.f32 v25, v12  }
0x3d: {  	v8 =	vadd.f32 v9, v8;
	v9 =	vadd.f32 v11, v10  }
0x3e: {  	v18 =	vld [tilespmem:s26+$0x6400];
	v10 =	vadd.f32 v16, v15  }
0x3f: {  	v19 =	vld [tilespmem:s26+$0x6410];
	v8 =	vadd.f32 v9, v8  }
0x40: {  	v20 =	vld [tilespmem:s26+$0x6420];
	(xrf2) =	vadd.scan.msk.f32 $0xffff, v10  }
0x41: {  	v21 =	vld [tilespmem:s26+$0x6430];
	(xrf2) =	vadd.scan.msk.f32 $0xffff, v8  }
0x42: {  	v22 =	vld [tilespmem:s26+$0x6480]  }
0x43: {  	v23 =	vld [tilespmem:s26+$0x6490]  }
0x44: {  	v24 =	vld [tilespmem:s26+$0x64A0]  }
0x45: {  	v26 =	vld [tilespmem:s26+$0x64B0]  }
0x46: {  	v28 =	vld [tilespmem:s26+$0x6500]  }
0x47: {  	v17 =	vld [tilespmem:s26+$0x6510]  }
0x48: {  	v16 =	vld [tilespmem:s26+$0x6520]  }
0x49: {  	v15 =	vld [tilespmem:s26+$0x6530];
	v9 =	vadd.f32 v21, v20;
	v8 =	vadd.f32 v19, v18  }
0x4a: {  	v27 =	vadd.f32 v26, v24;
	v10 =	vadd.f32 v23, v22;
	v11, _, _ =	vpop (xrf2)  }
0x4b: {  	v8 =	vadd.f32 v9, v8;
	(v2sf) =	vpush v11, $0xF;
	v11, _, _ =	vpop (xrf2)  }
0x4c: {  	v29 =	vmul.f32 v20, v20;
	v30 =	vmul.f32 v21, v21;
	(v2sf) =	vpush v11, $0xF  }
0x4d: {  	v10 =	vadd.f32 v27, v10;
	v9 =	vmul.f32 v18, v18;
	(xrf2) =	vadd.scan.msk.f32 $0xffff, v8;
	v11 =	vmul.f32 v19, v19  }
0x4e: {  	v27 =	vadd.f32 v15, v16;
	v8 =	vadd.f32 v17, v28  }
0x4f: {  	(xrf2) =	vadd.scan.msk.f32 $0xffff, v10;
	v9 =	vadd.f32 v11, v9;
	v11 =	vadd.f32 v30, v29  }
0x50: {  	v8 =	vadd.f32 v27, v8  }
0x51: {  	v9 =	vadd.f32 v11, v9  }
0x52: {  	(xrf2) =	vadd.scan.msk.f32 $0xffff, v8  }
0x53: {  	(xrf2) =	vadd.scan.msk.f32 $0xffff, v9;
	v9 =	vmul.f32 v23, v23  }
0x54: {  	v31 =	vmul.f32 v15, v15  }
0x55: {  	v27 =	vmul.f32 v28, v28;
	v8 =	vmul.f32 v22, v22  }
0x56: {  	v10 =	vmul.f32 v24, v24;
	v11 =	vmul.f32 v26, v26  }
0x57: {  	v29 =	vmul.f32 v17, v17;
	v30 =	vmul.f32 v16, v16;
	v8 =	vadd.f32 v9, v8;
	v9, _, _ =	vpop (xrf2)  }
0x58: {  	v10 =	vadd.f32 v11, v10;
	(v2sf) =	vpush v9, $0xF  }
0x59: {  	v11 =	vadd.f32 v31, v30;
	v9 =	vadd.f32 v29, v27;
	v27, _, _ =	vpop (xrf2)  }
0x5a: {  	v8 =	vadd.f32 v10, v8;
	s1 =	spop (v2sf);
	(v2sf) =	vpush v27, $0xF  }
0x5b: {  	s0 =	smul.f32 $1.562500000e-02, s1;
	s1 =	spop (v2sf)  }
0x5c: {  	v9 =	vadd.f32 v11, v9;
	s1 =	smul.f32 $1.562500000e-02, s1  }
0x5d: {  	(xrf2) =	vadd.scan.msk.f32 $0xffff, v8;
	s2 =	smul.f32 s0, s0  }
0x5e: {  	v8, _, _ =	vpop (xrf2);
	(xrf2) =	vadd.scan.msk.f32 $0xffff, v9  }
0x5f: {  	s1 =	ssub.f32 s1, s2  }
0x60: {  	(v2sf) =	vpush v8, $0xF;
	v8, _, _ =	vpop (xrf2)  }
0x61: {  	(v2sf) =	vpush v8, $0xF;
	s1 =	sadd.f32 $9.999999740e-06, s1;
	_ =	sdelay $0x1  }
0x62: {  	v8 =	vmov s1  }
0x63: {  	v9 =	vshra.s32 v8, $0x1;
	v27 =	vmul.f32 $5.000000000e-01, v8  }
0x64: {  	v29 =	vsub.s32 $0x5F3759DF, v9  }
0x65: {  	v8 =	vmul.f32 v29, v27  }
0x66: {  	s28 =	simm.s32 $0x200;
	v9, _, _ =	vpop (xrf2);
	s2 =	spop (v2sf)  }
0x67: {  	v11 =	vld [tilespmem:s28+$0x65A0];
	(v2sf) =	vpush v9, $0xF;
	v9, _, _ =	vpop (xrf2);
	v10 =	vmul.f32 v29, v8;
	s1 =	smul.f32 $1.562500000e-02, s2  }
0x68: {  	v8 =	vld [tilespmem:s28+$0x6580];
	(v2sf) =	vpush v9, $0xF;
	s3 =	spop (v2sf)  }
0x69: {  	v9 =	vld [tilespmem:s28+$0x6590];
	v31 =	vsub.f32 $1.500000000e+00, v10;
	v34 =	vmov s1;
	s2 =	smul.f32 $1.562500000e-02, s3  }
0x6a: {  	v10 =	vld [tilespmem:s28+$0x65B0];
	v32 =	vsub.f32 v18, v34;
	v30 =	vsub.f32 v19, v34  }
0x6b: {  	v18 =	vld [tilespmem:s28+$0x6400];
	v33 =	vsub.f32 v20, v34;
	v29 =	vmul.f32 v29, v31;
	v20 =	vmov s2  }
0x6c: {  	v39 =	vmul.f32 v11, v11;
	v19 =	vld [tilespmem:s28+$0x6410];
	v31 =	vsub.f32 v21, v34;
	v35 =	vsub.f32 v22, v20  }
0x6d: {  	v21 =	vld [tilespmem:s28+$0x6420];
	v34 =	vsub.f32 v23, v20;
	v36 =	vsub.f32 v24, v20;
	v23 =	vmul.f32 v29, v27  }
0x6e: {  	s1 =	smul.f32 s1, s1;
	s3 =	spop (v2sf);
	v22 =	vld [tilespmem:s28+$0x6430];
	v37 =	vsub.f32 v26, v20;
	v27 =	vmul.f32 v8, v8;
	v38 =	vmul.f32 v9, v9  }
0x6f: {  	s3 =	smul.f32 $1.562500000e-02, s3;
	s25 =	spop (v2sf);
	v20 =	vld [tilespmem:s28+$0x6480];
	v41 =	vadd.f32 v9, v8;
	v40 =	vmul.f32 v10, v10;
	v42 =	vadd.f32 v10, v11  }
0x70: {  	v26 =	vld [tilespmem:s28+$0x6490];
	s25 =	smul.f32 $1.562500000e-02, s25;
	v23 =	vmul.f32 v23, v29;
	v43 =	vadd.f32 v38, v27;
	v45 =	vmul.f32 v18, v18  }
0x71: {  	v46 =	vadd.f32 v19, v18;
	v48 =	vmul.f32 v19, v19;
	v41 =	vadd.f32 v42, v41  }
0x72: {  	v24 =	vld [tilespmem:s28+$0x64A0];
	s1 =	ssub.f32 s25, s1;
	v39 =	vadd.f32 v40, v39;
	v40 =	vmov s3;
	v42 =	vmov s0  }
0x73: {  	v27 =	vld [tilespmem:s28+$0x64B0];
	v49 =	vmul.f32 v21, v21;
	v44 =	vsub.f32 $1.500000000e+00, v23;
	v38 =	vsub.f32 v28, v40;
	(xrf2) =	vadd.scan.msk.f32 $0xffff, v41  }
0x74: {  	s1 =	sadd.f32 $9.999999740e-06, s1;
	v23 =	vld [tilespmem:s28+$0x6500];
	v58 =	vadd.f32 v22, v21;
	v50 =	vmul.f32 v22, v22;
	v39 =	vadd.f32 v39, v43  }
0x75: {  	s0 =	smul.f32 s2, s2;
	v28 =	vld [tilespmem:s28+$0x6520];
	v51 =	vadd.f32 v26, v20;
	v44 =	vmul.f32 v44, v29;
	v29 =	vsub.f32 v25, v42  }
0x76: {  	v52 =	vmul.f32 v20, v20;
	v53 =	vmul.f32 v26, v26;
	v43 =	vmov s1;
	v25 =	vld [tilespmem:s28+$0x6510];
	s1 =	smul.f32 s3, s3;
	(xrf2) =	vadd.scan.msk.f32 $0xffff, v39;
	s12 =	spop (v2sf)  }
0x77: {  	v45 =	vadd.f32 v48, v45;
	v14 =	vsub.f32 v14, v42;
	v47 =	vmul.f32 v44, v29;
	v29 =	vld [tilespmem:s28+$0x6530];
	s2 =	smul.f32 $1.562500000e-02, s12;
	s25 =	spop (v2sf)  }
0x78: {  	v13 =	vsub.f32 v13, v42;
	v49 =	vadd.f32 v50, v49;
	s3 =	smul.f32 $1.562500000e-02, s25  }
0x79: {  	v54 =	vmul.f32 v24, v24;
	v52 =	vadd.f32 v53, v52;
	v0 =	vadd.f32 v27, v24;
	s0 =	ssub.f32 s2, s0  }
0x7a: {  	v41 =	vshra.s32 v43, $0x1;
	v39 =	vadd.f32 v58, v46;
	v55 =	vmul.f32 v27, v27;
	s1 =	ssub.f32 s3, s1  }
0x7b: {  	v43 =	vmul.f32 $5.000000000e-01, v43;
	v45 =	vadd.f32 v49, v45;
	v46 =	vadd.f32 v0, v51;
	s0 =	sadd.f32 $9.999999740e-06, s0  }
0x7c: {  	v41 =	vsub.s32 $0x5F3759DF, v41;
	(xrf2) =	vadd.scan.msk.f32 $0xffff, v39;
	v56 =	vadd.f32 v25, v23;
	v1 =	vadd.f32 v29, v28  }
0x7d: {  	v57 =	vmul.f32 v23, v23;
	v54 =	vadd.f32 v55, v54;
	s1 =	sadd.f32 $9.999999740e-06, s1;
	v0, _, _ =	vpop (xrf2);
	v2 =	vmov s0  }
0x7e: {  	v51 =	vmul.f32 v28, v28;
	(xrf2) =	vadd.scan.msk.f32 $0xffff, v46;
	v48 =	vadd.f32 v1, v56;
	(v2sf) =	vpush v0, $0xF  }
0x7f: {  	v39 =	vmul.f32 v25, v25;
	v0 =	vmul.f32 v41, v43;
	v46 =	vmov s1  }
0x80: {  	v1 =	vshra.s32 v2, $0x1;
	v53 =	vmul.f32 $5.000000000e-01, v2;
	(xrf2) =	vadd.scan.msk.f32 $0xffff, v48;
	v58 =	vshra.s32 v46, $0x1;
	v2, _, _ =	vpop (xrf2)  }
0x81: {  	v46 =	vmul.f32 $5.000000000e-01, v46;
	v48 =	vsub.s32 $0x5F3759DF, v1;
	(v2sf) =	vpush v2, $0xF  }
0x82: {  	v55 =	vsub.s32 $0x5F3759DF, v58;
	v1 =	vmul.f32 v48, v53;
	(xrf2) =	vadd.scan.msk.f32 $0xffff, v45;
	v45 =	vmul.f32 v41, v0  }
0x83: {  	v12 =	vsub.f32 v12, v42;
	v50 =	vmul.f32 v29, v29;
	v2 =	vmul.f32 v55, v46  }
0x84: {  	v58 =	vadd.f32 v54, v52;
	v0 =	vmul.f32 v48, v1;
	v45 =	vsub.f32 $1.500000000e+00, v45  }
0x85: {  	v14 =	vmul.f32 v44, v14;
	v39 =	vadd.f32 v39, v57;
	v2 =	vmul.f32 v55, v2  }
0x86: {  	v49 =	vadd.f32 v50, v51;
	v1, _, _ =	vpop (xrf2);
	v51 =	vsub.f32 $1.500000000e+00, v0;
	v41 =	vmul.f32 v41, v45  }
0x87: {  	v13 =	vmul.f32 v44, v13;
	(xrf2) =	vadd.scan.msk.f32 $0xffff, v58;
	(v2sf) =	vpush v1, $0xF;
	v57 =	vsub.f32 $1.500000000e+00, v2  }
0x88: {  	v58, _, _ =	vpop (xrf2);
	v0 =	vmul.f32 v48, v51;
	v43 =	vmul.f32 v41, v43  }
0x89: {  	v12 =	vmul.f32 v44, v12;
	(v2sf) =	vpush v58, $0xF;
	v1 =	vmul.f32 v55, v57  }
0x8a: {  	v2, _, _ =	vpop (xrf2);
	v52 =	vmul.f32 v0, v53;
	v54 =	vmul.f32 v43, v41  }
0x8b: {  	v39 =	vadd.f32 v49, v39;
	v53 =	vmul.f32 v1, v46;
	(v2sf) =	vpush v2, $0xF  }
0x8c: {  	v47 =	vmul.f32 v47, v62;
	v55 =	vmul.f32 v52, v0;
	v42 =	vsub.f32 $1.500000000e+00, v54  }
0x8d: {  	v17 =	vsub.f32 v17, v40;
	v14 =	vmul.f32 v14, v59;
	(xrf2) =	vadd.scan.msk.f32 $0xffff, v39;
	v56, _, _ =	vpop (xrf2);
	v39 =	vmul.f32 v53, v1;
	s3 =	spop (v2sf)  }
0x8e: {  	(v2sf) =	vpush v56, $0xF;
	v43 =	vsub.f32 $1.500000000e+00, v55;
	v41 =	vmul.f32 v42, v41;
	s30 =	smul.f32 $1.562500000e-02, s3  }
0x8f: {  	v16 =	vsub.f32 v16, v40;
	v13 =	vmul.f32 v13, v60;
	v12 =	vmul.f32 v12, v61  }
0x90: {  	v39 =	vsub.f32 $1.500000000e+00, v39;
	v57 =	vmul.f32 v43, v0;
	v32 =	vmul.f32 v41, v32;
	s25 =	smul.f32 s30, s30;
	s12 =	spop (v2sf)  }
0x91: {  	v15 =	vsub.f32 v15, v40;
	v53 =	vld [tilespmem:$0x1FFC0];
	v0, _, _ =	vpop (xrf2);
	v30 =	vmul.f32 v41, v30;
	v33 =	vmul.f32 v41, v33;
	s0 =	smul.f32 $1.562500000e-02, s12  }
0x92: {  	v41 =	vmul.f32 v41, v31;
	v39 =	vmul.f32 v39, v1;
	(v2sf) =	vpush v0, $0xF  }
0x93: {  	v14 =	vadd.f32 v14, v63;
	v35 =	vmul.f32 v57, v35;
	v1 =	vmul.f32 v57, v34;
	s0 =	ssub.f32 s0, s25  }
0x94: {  	v58 =	vadd.f32 v47, v6;
	v2 =	vmul.f32 v57, v36;
	v45 =	vmul.f32 v57, v37  }
0x95: {  	v31 =	vadd.f32 v13, v5;
	v40 =	vmul.f32 v33, v61;
	v33 =	vmul.f32 v41, v62;
	s0 =	sadd.f32 $9.999999740e-06, s0  }
0x96: {  	v54 =	vadd.f32 v12, v53;
	v55 =	vmul.f32 v39, v38;
	v36 =	vmul.f32 v39, v17;
	s2 =	spop (v2sf)  }
0x97: {  	v37 =	vmul.f32 v39, v16;
	v38 =	vmul.f32 v39, v15;
	s1 =	smul.f32 $1.562500000e-02, s2;
	v16 =	vmov s0  }
0x98: {  	v13, _, _ =	vpop (xrf2);
	v34 =	vmul.f32 v35, v59;
	s3 =	spop (v2sf);
	v15 =	vshra.s32 v16, $0x1;
	v56 =	vmul.f32 $5.000000000e-01, v16  }
0x99: {  	[tilespmem:s26+$0xE580] =	vst v14;
	(v2sf) =	vpush v13, $0xF;
	v12 =	vmov s1;
	s0 =	smul.f32 $1.562500000e-02, s3;
	v57 =	vsub.s32 $0x5F3759DF, v15  }
0x9a: {  	[tilespmem:s26+$0xE5B0] =	vst v58;
	v13 =	vsub.f32 v18, v12;
	v16 =	vsub.f32 v21, v12;
	s12 =	spop (v2sf);
	v21 =	vmul.f32 v57, v56  }
0x9b: {  	[tilespmem:s26+$0xE590] =	vst v31;
	v17 =	vsub.f32 v19, v12;
	v12 =	vsub.f32 v22, v12;
	v15 =	vmov s0;
	s2 =	smul.f32 $1.562500000e-02, s12  }
0x9c: {  	s29 =	simm.s32 $0x400;
	[tilespmem:s26+$0xE5A0] =	vst v54;
	v18 =	vsub.f32 v20, v15;
	v14 =	vsub.f32 v26, v15;
	v20 =	vmul.f32 v57, v21  }
0x9d: {  	v31 =	vld [tilespmem:s29+$0x6580];
	s1 =	smul.f32 s1, s1;
	v19 =	vsub.f32 v24, v15;
	v15 =	vsub.f32 v27, v15;
	s25 =	spop (v2sf);
	v24 =	vmov s2  }
0x9e: {  	v35 =	vld [tilespmem:s29+$0x65B0];
	v26 =	vmul.f32 v32, v59;
	s12 =	smul.f32 $1.562500000e-02, s25;
	v21 =	vsub.f32 v23, v24;
	v58 =	vsub.f32 $1.500000000e+00, v20  }
0x9f: {  	v27 =	vmul.f32 v30, v60;
	v32 =	vld [tilespmem:s29+$0x6590];
	v22 =	vsub.f32 v25, v24;
	v23 =	vsub.f32 v29, v24  }
0xa0: {  	s3 =	smul.f32 s0, s0;
	v30 =	vld [tilespmem:s29+$0x65A0];
	v29 =	vmul.f32 v1, v60;
	v41 =	vadd.f32 v26, v63;
	s12 =	ssub.f32 s12, s1;
	v49 =	vmul.f32 v57, v58  }
0xa1: {  	s31 =	simm.s32 $0x1800;
	s0 =	smul.f32 s2, s2;
	v26 =	vmul.f32 v45, v62;
	v25 =	vld [tilespmem:s29+$0x6410];
	v43 =	vadd.f32 v27, v5;
	v27 =	vmul.f32 v55, v59;
	s2 =	spop (v2sf)  }
0xa2: {  	s25 =	sshll.u32 s24, $0x1;
	v20 =	vsub.f32 v28, v24;
	v24 =	vld [tilespmem:s29+$0x6400];
	v28 =	vmul.f32 v2, v61;
	s1 =	smul.f32 $1.562500000e-02, s2;
	s2 =	sadd.f32 $9.999999740e-06, s12;
	v50 =	vmul.f32 v49, v56  }
.LBB2_3:
0xa3: {  	v48 =	vmul.f32 v36, v60  }
0xa4: {  	v39 =	vld [tilespmem:s29+$0x6420];
	v36 =	vmul.f32 v37, v61;
	v37 =	vmul.f32 v38, v62;
	[tilespmem:s26+$0xE400] =	vst v41;
	v42 =	vadd.f32 v40, v53  }
0xa5: {  	v55 =	vmov s30;
	v51 =	vmov s2;
	v44 =	vmul.f32 v50, v49;
	v40 =	vld [tilespmem:s29+$0x6430];
	[tilespmem:s26+$0xE410] =	vst v43  }
0xa6: {  	v0 =	vsub.f32 v10, v55;
	v50 =	vshra.s32 v51, $0x1;
	v41 =	vld [tilespmem:s29+$0x6480];
	[tilespmem:s26+$0xE420] =	vst v42;
	v60 =	vadd.f32 v32, v31  }
0xa7: {  	v46 =	vadd.f32 v35, v30;
	v42 =	vld [tilespmem:s29+$0x6490];
	v47 =	vmul.f32 v31, v31;
	v52 =	vmul.f32 v32, v32  }
0xa8: {  	v44 =	vsub.f32 $1.500000000e+00, v44;
	v43 =	vld [tilespmem:s29+$0x64A0];
	v61 =	vmul.f32 v30, v30;
	v54 =	vmul.f32 v35, v35  }
0xa9: {  	v51 =	vmul.f32 $5.000000000e-01, v51;
	v50 =	vsub.s32 $0x5F3759DF, v50;
	v45 =	vld [tilespmem:s29+$0x64B0];
	v38 =	vadd.f32 v46, v60  }
0xaa: {  	v10 =	vmovc v35;
	v35 =	vld [tilespmem:s29+$0x6500];
	v49 =	vmul.f32 v44, v49;
	v47 =	vadd.f32 v52, v47;
	v1 =	vadd.f32 v54, v61  }
0xab: {  	v56 =	vmul.f32 v24, v24;
	v53 =	vadd.f32 v25, v24;
	v57 =	vmul.f32 v25, v25;
	v44 =	vld [tilespmem:s29+$0x6510]  }
0xac: {  	v58 =	vmul.f32 v39, v39;
	v46 =	vld [tilespmem:s29+$0x6520];
	v2 =	vmul.f32 v49, v0;
	(xrf2) =	vadd.scan.msk.f32 $0xffff, v38;
	v52 =	vadd.f32 v1, v47  }
0xad: {  	v7 =	vmovc v62;
	v54 =	vadd.f32 v40, v39;
	v59 =	vmul.f32 v40, v40;
	v47 =	vld [tilespmem:s29+$0x6530];
	v60 =	vadd.f32 v42, v41  }
0xae: {  	s12 =	spop (v2sf);
	v38 =	vmul.f32 v2, v62;
	v61 =	vadd.f32 v45, v43;
	v62 =	vmul.f32 v41, v41;
	(xrf2) =	vadd.scan.msk.f32 $0xffff, v52  }
0xaf: {  	s1 =	ssub.f32 s1, s3;
	s3 =	smul.f32 $1.562500000e-02, s12;
	v0 =	vmul.f32 v45, v45;
	v2 =	vmul.f32 v35, v35;
	v53 =	vadd.f32 v54, v53  }
0xb0: {  	v54 =	vadd.f32 v57, v56;
	v52 =	vmul.f32 v43, v43;
	v38 =	vadd.f32 v38, v6  }
0xb1: {  	s0 =	ssub.f32 s3, s0;
	v1 =	vadd.f32 v44, v35;
	v3 =	vmul.f32 v44, v44;
	v56 =	vmul.f32 v46, v46;
	(xrf2) =	vadd.scan.msk.f32 $0xffff, v53  }
0xb2: {  	s1 =	sadd.f32 $9.999999740e-06, s1;
	v0 =	vadd.f32 v0, v52;
	[tilespmem:s28+$0xE5B0] =	vst v38;
	v38 =	vadd.f32 v59, v58;
	v58 =	vmul.f32 v47, v47  }
0xb3: {  	v4 =	vmovc v63;
	v63 =	vmul.f32 v42, v42;
	s0 =	sadd.f32 $9.999999740e-06, s0;
	v2 =	vadd.f32 v3, v2;
	v57 =	vadd.f32 v47, v46  }
0xb4: {  	v53 =	vmov s1;
	v59 =	vadd.f32 v61, v60;
	v3 =	vadd.f32 v58, v56  }
0xb5: {  	v52 =	vmov s0;
	v1 =	vadd.f32 v57, v1;
	v38 =	vadd.f32 v38, v54  }
0xb6: {  	v54 =	vshra.s32 v53, $0x1;
	v57 =	vsub.f32 v8, v55;
	v2 =	vadd.f32 v3, v2;
	v56, _, _ =	vpop (xrf2);
	(xrf2) =	vadd.scan.msk.f32 $0xffff, v59  }
0xb7: {  	v3 =	vmul.f32 $5.000000000e-01, v53;
	v53 =	vshra.s32 v52, $0x1;
	v52 =	vmul.f32 $5.000000000e-01, v52  }
0xb8: {  	(v2sf) =	vpush v56, $0xF;
	v56, _, _ =	vpop (xrf2);
	(xrf2) =	vadd.scan.msk.f32 $0xffff, v1;
	v1 =	vsub.s32 $0x5F3759DF, v54;
	v54 =	vmul.f32 v50, v51  }
0xb9: {  	v58 =	vsub.f32 v9, v55;
	v55 =	vsub.f32 v11, v55;
	v53 =	vsub.s32 $0x5F3759DF, v53  }
0xba: {  	v8 =	vmovc v31;
	v31 =	vmul.f32 v53, v52;
	(v2sf) =	vpush v56, $0xF;
	v11 =	vmul.f32 v50, v54  }
0xbb: {  	v60 =	vadd.f32 v63, v62;
	v56 =	vmul.f32 v1, v3  }
0xbc: {  	v33 =	vadd.f32 v33, v6;
	(xrf2) =	vadd.scan.msk.f32 $0xffff, v38;
	v38, _, _ =	vpop (xrf2);
	v31 =	vmul.f32 v53, v31  }
0xbd: {  	v0 =	vadd.f32 v0, v60;
	v9 =	vmovc v32;
	(v2sf) =	vpush v38, $0xF;
	v32 =	vmul.f32 v1, v56  }
0xbe: {  	v61 =	vld [tilespmem:$0x1FFF0];
	v54 =	vmul.f32 v49, v57;
	v38 =	vsub.f32 $1.500000000e+00, v11;
	v11 =	vmovc v30;
	v30 =	vsub.f32 $1.500000000e+00, v31  }
0xbf: {  	(xrf2) =	vadd.scan.msk.f32 $0xffff, v0;
	v56 =	vmul.f32 v49, v58;
	v0 =	vsub.f32 $1.500000000e+00, v32;
	v31 =	vmul.f32 v49, v55  }
0xc0: {  	v29 =	vadd.f32 v29, v5;
	v57 =	vmul.f32 v50, v38;
	v55, _, _ =	vpop (xrf2);
	v49 =	vmul.f32 v53, v30;
	v53 =	vld [tilespmem:$0x1FFC0]  }
0xc1: {  	v26 =	vadd.f32 v26, v6;
	[tilespmem:s26+$0xE430] =	vst v33;
	v59 =	vld [tilespmem:$0x1FFD0];
	v0 =	vmul.f32 v1, v0;
	(v2sf) =	vpush v55, $0xF  }
0xc2: {  	v34 =	vadd.f32 v34, v4;
	[tilespmem:s26+$0xE490] =	vst v29;
	v50 =	vmul.f32 v57, v51  }
0xc3: {  	[tilespmem:s26+$0xE4B0] =	vst v26;
	v26 =	vadd.f32 v27, v4;
	v29 =	vmul.f32 v31, v61;
	v3 =	vmul.f32 v0, v3;
	v51, _, _ =	vpop (xrf2)  }
0xc4: {  	(xrf2) =	vadd.scan.msk.f32 $0xffff, v2;
	v31 =	vadd.f32 v48, v5;
	v2 =	vmul.f32 v50, v57;
	(v2sf) =	vpush v51, $0xF  }
0xc5: {  	[tilespmem:s26+$0xE480] =	vst v34;
	v60 =	vld [tilespmem:$0x1FFE0];
	v52 =	vmul.f32 v49, v52;
	v3 =	vmul.f32 v3, v0;
	v28 =	vadd.f32 v28, v53  }
0xc6: {  	v58 =	vmul.f32 v54, v59;
	[tilespmem:s26+$0xE510] =	vst v31;
	v31 =	vadd.f32 v37, v6;
	v27, _, _ =	vpop (xrf2);
	v2 =	vsub.f32 $1.500000000e+00, v2  }
0xc7: {  	(v2sf) =	vpush v27, $0xF;
	v3 =	vsub.f32 $1.500000000e+00, v3;
	[tilespmem:s26+$0xE4A0] =	vst v28;
	v28 =	vmul.f32 v52, v49  }
0xc8: {  	[tilespmem:s26+$0xE500] =	vst v26;
	v27 =	vadd.f32 v36, v53;
	s12 =	spop (v2sf);
	v2 =	vmul.f32 v2, v57  }
0xc9: {  	[tilespmem:s26+$0xE530] =	vst v31;
	s30 =	smul.f32 $1.562500000e-02, s12;
	v0 =	vmul.f32 v3, v0;
	v3 =	vadd.f32 v58, v4;
	s1 =	spop (v2sf)  }
0xca: {  	v30 =	vmul.f32 v56, v60;
	[tilespmem:s26+$0xE520] =	vst v27;
	s26 =	smov.u32 s28;
	v27 =	vmul.f32 v2, v16;
	v26 =	vsub.f32 $1.500000000e+00, v28;
	s0 =	smul.f32 $1.562500000e-02, s1  }
0xcb: {  	s2 =	smul.f32 s30, s30;
	v34 =	vmul.f32 v0, v18;
	[tilespmem:s26+$0xE580] =	vst v3;
	v3 =	vadd.f32 v29, v53;
	v29 =	vmul.f32 v0, v14;
	v28, _, _ =	vpop (xrf2)  }
0xcc: {  	s3 =	spop (v2sf);
	v54 =	vmul.f32 v0, v19;
	v0 =	vmul.f32 v0, v15;
	(v2sf) =	vpush v28, $0xF  }
0xcd: {  	s1 =	smul.f32 $1.562500000e-02, s3;
	v1 =	vmul.f32 v26, v49;
	v26 =	vmul.f32 v2, v17;
	s0 =	ssub.f32 s0, s2  }
0xce: {  	v28 =	vmul.f32 v2, v13;
	v13 =	vadd.f32 v30, v5;
	v2 =	vmul.f32 v2, v12  }
0xcf: {  	[tilespmem:s26+$0xE5A0] =	vst v3;
	v16, _, _ =	vpop (xrf2);
	v3 =	vmov s1;
	s0 =	sadd.f32 $9.999999740e-06, s0;
	v55 =	vmul.f32 v1, v21;
	v36 =	vmul.f32 v1, v22  }
0xd0: {  	(v2sf) =	vpush v16, $0xF;
	v37 =	vmul.f32 v1, v20;
	v38 =	vmul.f32 v1, v23;
	s12 =	spop (v2sf)  }
0xd1: {  	v17 =	vsub.f32 v25, v3;
	v16 =	vsub.f32 v39, v3;
	v12 =	vmov s0;
	s0 =	smul.f32 $1.562500000e-02, s12  }
0xd2: {  	[tilespmem:s26+$0xE590] =	vst v13;
	v13 =	vsub.f32 v24, v3;
	v56 =	vshra.s32 v12, $0x1;
	v57 =	vmul.f32 $5.000000000e-01, v12  }
0xd3: {  	s2 =	smul.f32 s1, s1;
	v12 =	vsub.f32 v40, v3;
	v1 =	vsub.s32 $0x5F3759DF, v56;
	s1 =	spop (v2sf);
	v3 =	vmov s0  }
0xd4: {  	v34 =	vmul.f32 v34, v59;
	v20 =	vmul.f32 v1, v57;
	s12 =	smul.f32 $1.562500000e-02, s1;
	v18 =	vsub.f32 v41, v3  }
0xd5: {  	s28 =	smov.u32 s29;
	v29 =	vmul.f32 v29, v60;
	s3 =	smul.f32 s0, s0;
	v14 =	vsub.f32 v42, v3;
	v19 =	vsub.f32 v43, v3  }
0xd6: {  	s29 =	sshra.s32 s31, $0x2;
	v15 =	vsub.f32 v45, v3;
	v3 =	vmul.f32 v1, v20;
	s0 =	smul.f32 s12, s12;
	v23 =	vmov s12;
	s12 =	spop (v2sf)  }
0xd7: {  	p1 =	sne.s32 s31, $0xF800;
	v58 =	vmul.f32 v26, v60;
	v26 =	vmul.f32 v0, v7;
	v31 =	vld [tilespmem:s29+$0x6580];
	s1 =	smul.f32 $1.562500000e-02, s12  }
.Ltmp2:
0xd8: {  	v25 =	vmul.f32 v28, v59;
	v33 =	vmul.f32 v2, v7;
	v32 =	vld [tilespmem:s29+$0x6590];
	v3 =	vsub.f32 $1.500000000e+00, v3;
	(pc) =	sbr.rel @p1 .LBB2_3-.Ltmp2, $4  }
0xd9: {  	v28 =	vmul.f32 v54, v61;
	v30 =	vld [tilespmem:s29+$0x65A0];
	v40 =	vmul.f32 v27, v61  }
0xda: {  	v24 =	vld [tilespmem:s29+$0x6400];
	v41 =	vadd.f32 v25, v4;
	v43 =	vadd.f32 v58, v5;
	s2 =	ssub.f32 s1, s2;
	v49 =	vmul.f32 v1, v3  }
0xdb: {  	v63 =	vmovc v4;
	v27 =	vmul.f32 v55, v59;
	v25 =	vld [tilespmem:s29+$0x6410];
	v21 =	vsub.f32 v35, v23;
	v22 =	vsub.f32 v44, v23;
	s12 =	spop (v2sf)  }
0xdc: {  	v62 =	vmovc v7;
	s31 =	sadd.s32 $0x800, s31;
	v20 =	vsub.f32 v46, v23;
	v35 =	vld [tilespmem:s29+$0x65B0];
	v23 =	vsub.f32 v47, v23;
	s2 =	sadd.f32 $9.999999740e-06, s2;
	v50 =	vmul.f32 v49, v57;
	s1 =	smul.f32 $1.562500000e-02, s12  }
0xdd: {  	_ =	sdelay $0x2  }
0xde: {  	v39 =	vld [tilespmem:s29+$0x6420];
	[tilespmem:s26+$0xE400] =	vst v41;
	v0 =	vmul.f32 v31, v31;
	v1 =	vmul.f32 v32, v32;
	v2 =	vadd.f32 v40, v53  }
0xdf: {  	v42 =	vld [tilespmem:s29+$0x6430];
	v3 =	vmul.f32 v30, v30;
	[tilespmem:s26+$0xE410] =	vst v43;
	v54 =	vmul.f32 v35, v35  }
0xe0: {  	v55 =	vadd.f32 v32, v31;
	v43 =	vld [tilespmem:s29+$0x6480];
	[tilespmem:s26+$0xE420] =	vst v2;
	v44 =	vadd.f32 v35, v30  }
0xe1: {  	v0 =	vadd.f32 v1, v0;
	v48 =	vld [tilespmem:s29+$0x6490];
	v56 =	vadd.f32 v54, v3  }
0xe2: {  	v45 =	vld [tilespmem:s29+$0x64A0];
	v57 =	vadd.f32 v44, v55  }
0xe3: {  	v47 =	vld [tilespmem:s29+$0x64B0];
	v0 =	vadd.f32 v56, v0  }
0xe4: {  	v46 =	vld [tilespmem:s29+$0x6500];
	(xrf2) =	vadd.scan.msk.f32 $0xffff, v57  }
0xe5: {  	v40 =	vld [tilespmem:s29+$0x6520];
	(xrf2) =	vadd.scan.msk.f32 $0xffff, v0  }
0xe6: {  	v44 =	vld [tilespmem:s29+$0x6510]  }
0xe7: {  	v41 =	vld [tilespmem:s29+$0x6530];
	v1 =	vadd.f32 v25, v24  }
0xe8: {  	v51 =	vmul.f32 v39, v39;
	v2 =	vadd.f32 v42, v39;
	v3 =	vmul.f32 v25, v25  }
0xe9: {  	v53 =	vmul.f32 v42, v42;
	v52 =	vadd.f32 v48, v43;
	v0 =	vmul.f32 v24, v24  }
0xea: {  	v54 =	vadd.f32 v47, v45;
	v56 =	vmov s2;
	v1 =	vadd.f32 v2, v1  }
0xeb: {  	v57 =	vmul.f32 v43, v43;
	v55 =	vadd.f32 v44, v46;
	v0 =	vadd.f32 v3, v0  }
0xec: {  	s31 =	spop (v2sf);
	v58 =	vmul.f32 v48, v48;
	v3 =	vadd.f32 v53, v51;
	v51 =	vadd.f32 v41, v40  }
0xed: {  	v50 =	vmul.f32 v50, v49;
	s2 =	smul.f32 $1.562500000e-02, s31;
	v2 =	vshra.s32 v56, $0x1;
	v52 =	vadd.f32 v54, v52  }
0xee: {  	s1 =	ssub.f32 s1, s3;
	v54 =	vadd.f32 v58, v57;
	v57 =	vmul.f32 v41, v41;
	v51 =	vadd.f32 v51, v55;
	v53, _, _ =	vpop (xrf2);
	(xrf2) =	vadd.scan.msk.f32 $0xffff, v1  }
0xef: {  	s0 =	ssub.f32 s2, s0;
	v55 =	vmul.f32 v46, v46;
	v0 =	vadd.f32 v3, v0;
	(v2sf) =	vpush v53, $0xF;
	v53, _, _ =	vpop (xrf2)  }
0xf0: {  	s1 =	sadd.f32 $9.999999740e-06, s1;
	v3 =	vmul.f32 v44, v44;
	(xrf2) =	vadd.scan.msk.f32 $0xffff, v52;
	v52 =	vmul.f32 v40, v40;
	(v2sf) =	vpush v53, $0xF  }
0xf1: {  	v2 =	vsub.s32 $0x5F3759DF, v2;
	s0 =	sadd.f32 $9.999999740e-06, s0;
	v1 =	vmul.f32 v45, v45;
	v53 =	vmul.f32 v47, v47;
	(xrf2) =	vadd.scan.msk.f32 $0xffff, v51  }
0xf2: {  	v3 =	vadd.f32 v3, v55;
	v51 =	vmov s1;
	(xrf2) =	vadd.scan.msk.f32 $0xffff, v0;
	v0 =	vadd.f32 v57, v52  }
0xf3: {  	v52 =	vmul.f32 $5.000000000e-01, v56;
	v1 =	vadd.f32 v53, v1;
	v53 =	vmov s0  }
0xf4: {  	v58 =	vshra.s32 v51, $0x1;
	v51 =	vmul.f32 $5.000000000e-01, v51;
	v57 =	vshra.s32 v53, $0x1  }
0xf5: {  	v56 =	vmul.f32 v2, v52;
	v1 =	vadd.f32 v1, v54;
	v54 =	vsub.s32 $0x5F3759DF, v58  }
0xf6: {  	v53 =	vmul.f32 $5.000000000e-01, v53;
	v55 =	vsub.s32 $0x5F3759DF, v57;
	v57 =	vmul.f32 v54, v51  }
0xf7: {  	v50 =	vsub.f32 $1.500000000e+00, v50;
	v56 =	vmul.f32 v2, v56  }
0xf8: {  	v0 =	vadd.f32 v0, v3;
	(xrf2) =	vadd.scan.msk.f32 $0xffff, v1;
	v1 =	vmul.f32 v55, v53;
	v3, _, _ =	vpop (xrf2);
	v57 =	vmul.f32 v54, v57  }
0xf9: {  	v49 =	vmul.f32 v50, v49;
	(v2sf) =	vpush v3, $0xF;
	v3 =	vsub.f32 $1.500000000e+00, v56  }
0xfa: {  	(xrf2) =	vadd.scan.msk.f32 $0xffff, v0;
	v0 =	vmul.f32 v36, v60;
	v1 =	vmul.f32 v55, v1;
	v56 =	vsub.f32 $1.500000000e+00, v57  }
0xfb: {  	v34 =	vadd.f32 v34, v63;
	v36 =	vmul.f32 v37, v61;
	v2 =	vmul.f32 v2, v3  }
0xfc: {  	v37 =	vmul.f32 v38, v62;
	v1 =	vsub.f32 $1.500000000e+00, v1;
	v57, _, _ =	vpop (xrf2);
	v3 =	vmul.f32 v54, v56  }
0xfd: {  	v56 =	vmov s30;
	(v2sf) =	vpush v57, $0xF;
	v58, _, _ =	vpop (xrf2);
	v57 =	vmul.f32 v2, v52  }
0xfe: {  	v1 =	vmul.f32 v55, v1;
	v8 =	vsub.f32 v8, v56;
	(v2sf) =	vpush v58, $0xF;
	v54, _, _ =	vpop (xrf2);
	s1 =	spop (v2sf)  }
0xff: {  	v58 =	vmul.f32 v3, v51;
	(v2sf) =	vpush v54, $0xF;
	s0 =	smul.f32 $1.562500000e-02, s1;
	v38 =	vmul.f32 v57, v2;
	s2 =	spop (v2sf)  }
0x100: {  	v10 =	vsub.f32 v10, v56;
	v51 =	vmul.f32 v49, v8;
	v8 =	vmul.f32 v1, v53;
	s1 =	smul.f32 $1.562500000e-02, s2  }
0x101: {  	v9 =	vsub.f32 v9, v56;
	v11 =	vsub.f32 v11, v56;
	v56 =	vmul.f32 v58, v3;
	s3 =	smul.f32 s0, s0  }
0x102: {  	v10 =	vmul.f32 v49, v10;
	v55, _, _ =	vpop (xrf2);
	v38 =	vsub.f32 $1.500000000e+00, v38;
	v8 =	vmul.f32 v8, v1  }
0x103: {  	v52 =	vmul.f32 v49, v9;
	(v2sf) =	vpush v55, $0xF;
	v9 =	vsub.f32 $1.500000000e+00, v56;
	s1 =	ssub.f32 s1, s3  }
0x104: {  	v49 =	vmul.f32 v49, v11;
	v2 =	vmul.f32 v38, v2;
	v8 =	vsub.f32 $1.500000000e+00, v8  }
0x105: {  	v29 =	vadd.f32 v29, v5;
	v10 =	vmul.f32 v10, v62;
	v3 =	vmul.f32 v9, v3;
	s1 =	sadd.f32 $9.999999740e-06, s1  }
0x106: {  	v26 =	vadd.f32 v26, v6;
	v1 =	vmul.f32 v8, v1;
	v50 =	vmul.f32 v2, v13  }
0x107: {  	v53 =	vmul.f32 v2, v17;
	v54 =	vmul.f32 v2, v16;
	v57 =	vmov s1  }
0x108: {  	v2 =	vmul.f32 v2, v12;
	v58 =	vshra.s32 v57, $0x1;
	v11 =	vmul.f32 $5.000000000e-01, v57  }
0x109: {  	v55 =	vmul.f32 v3, v18;
	v56 =	vmul.f32 v3, v14;
	v8, _, _ =	vpop (xrf2);
	v9 =	vsub.s32 $0x5F3759DF, v58  }
0x10a: {  	v21 =	vmul.f32 v1, v21;
	(v2sf) =	vpush v8, $0xF;
	s12 =	spop (v2sf);
	v38 =	vmul.f32 v9, v11  }
0x10b: {  	v27 =	vadd.f32 v27, v63;
	v22 =	vmul.f32 v1, v22;
	v2 =	vmul.f32 v2, v62;
	s1 =	smul.f32 $1.562500000e-02, s12  }
0x10c: {  	v0 =	vadd.f32 v0, v5;
	v57 =	vmul.f32 v3, v19;
	v8 =	vmul.f32 v9, v38;
	s30 =	spop (v2sf)  }
0x10d: {  	v3 =	vmul.f32 v3, v15;
	v58 =	vadd.f32 v33, v6;
	v33 =	vmul.f32 v1, v20;
	s31 =	smul.f32 s1, s1;
	s12 =	spop (v2sf)  }
0x10e: {  	v38 =	vadd.f32 v10, v6;
	v10 =	vmov s1;
	s1 =	smul.f32 $1.562500000e-02, s30;
	v8 =	vsub.f32 $1.500000000e+00, v8;
	s30 =	spop (v2sf)  }
0x10f: {  	v20 =	vmul.f32 v1, v23;
	v2 =	vadd.f32 v2, v6;
	v21 =	vmul.f32 v21, v59;
	s2 =	smul.f32 $1.562500000e-02, s30  }
0x110: {  	v19 =	vsub.f32 v24, v10;
	v16 =	vsub.f32 v25, v10;
	v12 =	vmul.f32 v9, v8  }
0x111: {  	v18 =	vsub.f32 v39, v10;
	v17 =	vsub.f32 v42, v10;
	v8 =	vmov s1;
	s2 =	ssub.f32 s2, s31;
	s31 =	smul.f32 s1, s1  }
0x112: {  	s1 =	smul.f32 $1.562500000e-02, s12;
	v15 =	vsub.f32 v43, v8;
	v13 =	vsub.f32 v48, v8;
	s30 =	spop (v2sf);
	v25 =	vmul.f32 v12, v11  }
0x113: {  	v14 =	vsub.f32 v45, v8;
	v48 =	vmov s0;
	v11 =	vsub.f32 v47, v8;
	s12 =	smul.f32 $1.562500000e-02, s30  }
0x114: {  	v43 =	vsub.f32 v35, v48;
	s2 =	sadd.f32 $9.999999740e-06, s2;
	v45 =	vmov s1;
	v1 =	vmul.f32 v25, v12  }
0x115: {  	v42 =	vmul.f32 v49, v61;
	v9 =	vsub.f32 v46, v45;
	v8 =	vsub.f32 v44, v45;
	s31 =	ssub.f32 s12, s31  }
0x116: {  	[tilespmem:s28+$0xE5B0] =	vst v38;
	v38 =	vld [tilespmem:$0x1FFC0];
	v10 =	vsub.f32 v41, v45;
	v46 =	vmov s2;
	v1 =	vsub.f32 $1.500000000e+00, v1  }
0x117: {  	v25 =	vsub.f32 v30, v48;
	v47 =	vshra.s32 v46, $0x1;
	v23 =	vmul.f32 $5.000000000e-01, v46;
	s3 =	sadd.f32 $9.999999740e-06, s31  }
0x118: {  	v24 =	vsub.s32 $0x5F3759DF, v47;
	v47 =	vsub.f32 v32, v48;
	v1 =	vmul.f32 v1, v12  }
0x119: {  	s1 =	smul.f32 s1, s1;
	s12 =	spop (v2sf);
	v12 =	vsub.f32 v40, v45;
	v44 =	vmul.f32 v24, v23;
	v46 =	vmov s3  }
0x11a: {  	[tilespmem:s26+$0xE430] =	vst v58;
	v45 =	vsub.f32 v31, v48;
	s2 =	smul.f32 $1.562500000e-02, s12;
	v48 =	vshra.s32 v46, $0x1;
	v40 =	vmul.f32 $5.000000000e-01, v46;
	v46 =	vld [tilespmem:$0x1FFC0]  }
0x11b: {  	[tilespmem:s26+$0xE490] =	vst v29;
	v58 =	vmul.f32 v52, v60;
	v29 =	vadd.f32 v36, v38;
	v35 =	vmul.f32 v1, v43  }
0x11c: {  	[tilespmem:s26+$0xE480] =	vst v34;
	v39 =	vmul.f32 v24, v44;
	s30 =	ssub.f32 s2, s1;
	v30 =	vsub.s32 $0x5F3759DF, v48;
	v31 =	vmul.f32 v1, v45  }
0x11d: {  	[tilespmem:s26+$0xE4B0] =	vst v26;
	v32 =	vmul.f32 v1, v47;
	v45 =	vmul.f32 v51, v59;
	v43 =	vadd.f32 v58, v5  }
0x11e: {  	[tilespmem:s26+$0xE500] =	vst v27;
	v44 =	vmul.f32 v30, v40;
	s0 =	sadd.f32 $9.999999740e-06, s30;
	v47 =	vsub.f32 $1.500000000e+00, v39;
	v39 =	vadd.f32 v37, v6  }
0x11f: {  	[tilespmem:s26+$0xE510] =	vst v0;
	v1 =	vmul.f32 v1, v25;
	v34 =	vadd.f32 v45, v63;
	v28 =	vadd.f32 v28, v46  }
0x120: {  	[tilespmem:s26+$0xE520] =	vst v29;
	v45 =	vld [tilespmem:$0x1FFC0];
	v49 =	vmul.f32 v35, v62;
	v25 =	vmul.f32 v30, v44;
	v48 =	vmov s0  }
0x121: {  	v44 =	vmul.f32 v50, v59;
	v50 =	vld [tilespmem:$0x1FFC0];
	v51 =	vshra.s32 v48, $0x1;
	[tilespmem:s26+$0xE4A0] =	vst v28;
	v28 =	vmul.f32 $5.000000000e-01, v48  }
0x122: {  	v24 =	vmul.f32 v24, v47;
	[tilespmem:s26+$0xE530] =	vst v39;
	v46 =	vmul.f32 v53, v60;
	v26 =	vsub.s32 $0x5F3759DF, v51  }
0x123: {  	v25 =	vsub.f32 $1.500000000e+00, v25;
	v27 =	vadd.f32 v44, v63;
	[tilespmem:s28+$0xE580] =	vst v34;
	v41 =	vmul.f32 v26, v28  }
0x124: {  	v47 =	vmul.f32 v54, v61;
	v53 =	vmul.f32 v56, v60;
	v48 =	vadd.f32 v46, v5;
	[tilespmem:s28+$0xE590] =	vst v43  }
0x125: {  	v56 =	vld [tilespmem:$0x1FFC0];
	v25 =	vmul.f32 v30, v25;
	v29 =	vadd.f32 v42, v45;
	[tilespmem:s28+$0xE400] =	vst v27;
	v30 =	vmul.f32 v26, v41  }
0x126: {  	v58 =	vmul.f32 v57, v61;
	v37 =	vmul.f32 v33, v61;
	v0 =	vadd.f32 v47, v50;
	[tilespmem:s28+$0xE410] =	vst v48  }
0x127: {  	v52 =	vadd.f32 v49, v6;
	v23 =	vmul.f32 v24, v23;
	[tilespmem:s28+$0xE5A0] =	vst v29;
	v30 =	vsub.f32 $1.500000000e+00, v30  }
0x128: {  	v21 =	vadd.f32 v21, v63;
	v51 =	vmul.f32 v55, v59;
	v55 =	vmul.f32 v25, v40;
	[tilespmem:s28+$0xE420] =	vst v0  }
0x129: {  	v23 =	vmul.f32 v23, v24;
	v0 =	vadd.f32 v53, v5;
	[tilespmem:s29+$0xE5B0] =	vst v52;
	v26 =	vmul.f32 v26, v30  }
0x12a: {  	v34 =	vadd.f32 v58, v56;
	[tilespmem:s28+$0xE430] =	vst v2;
	v30 =	vmul.f32 v3, v62;
	v3 =	vmul.f32 v55, v25  }
0x12b: {  	v36 =	vmul.f32 v22, v60;
	v1 =	vmul.f32 v1, v61;
	v23 =	vsub.f32 $1.500000000e+00, v23;
	[tilespmem:s28+$0xE490] =	vst v0  }
0x12c: {  	v42 =	vmul.f32 v32, v60;
	v22 =	vadd.f32 v37, v56;
	[tilespmem:s28+$0xE4A0] =	vst v34;
	v3 =	vsub.f32 $1.500000000e+00, v3  }
0x12d: {  	v1 =	vadd.f32 v1, v56;
	v23 =	vmul.f32 v23, v24;
	v24 =	vadd.f32 v51, v63;
	[tilespmem:s28+$0xE500] =	vst v21  }
0x12e: {  	v0 =	vadd.f32 v36, v5;
	[tilespmem:s28+$0xE520] =	vst v22;
	v39 =	vmul.f32 v3, v25;
	v3 =	vmul.f32 v20, v62  }
0x12f: {  	v41 =	vmul.f32 v31, v59;
	[tilespmem:s28+$0xE480] =	vst v24;
	v19 =	vmul.f32 v23, v19;
	v2 =	vadd.f32 v30, v6  }
0x130: {  	[tilespmem:s28+$0xE510] =	vst v0;
	v16 =	vmul.f32 v23, v16;
	v28 =	vmul.f32 v26, v28;
	v3 =	vadd.f32 v3, v6  }
0x131: {  	v21 =	vadd.f32 v41, v63;
	v17 =	vmul.f32 v23, v17;
	v43 =	vmul.f32 v19, v59;
	[tilespmem:s28+$0xE4B0] =	vst v2  }
0x132: {  	v0 =	vadd.f32 v42, v5;
	v16 =	vmul.f32 v16, v60;
	v35 =	vmul.f32 v28, v26;
	[tilespmem:s28+$0xE530] =	vst v3  }
0x133: {  	v47 =	vmul.f32 v17, v62;
	v45 =	vadd.f32 v43, v63;
	v2 =	vmul.f32 v39, v11;
	[tilespmem:s29+$0xE580] =	vst v21  }
0x134: {  	v38 =	vsub.f32 $1.500000000e+00, v35;
	v44 =	vmul.f32 v39, v15;
	v46 =	vmul.f32 v39, v13;
	[tilespmem:s29+$0xE590] =	vst v0  }
0x135: {  	v16 =	vadd.f32 v16, v5;
	v3 =	vmul.f32 v23, v18;
	v2 =	vmul.f32 v2, v62;
	[tilespmem:s29+$0xE5A0] =	vst v1  }
0x136: {  	v48 =	vadd.f32 v47, v6;
	v40 =	vmul.f32 v38, v26;
	[tilespmem:s29+$0xE400] =	vst v45;
	v0 =	vmul.f32 v44, v59  }
0x137: {  	v14 =	vmul.f32 v39, v14;
	[tilespmem:s29+$0xE410] =	vst v16;
	v3 =	vmul.f32 v3, v61;
	v2 =	vadd.f32 v2, v6  }
0x138: {  	v1 =	vmul.f32 v46, v60;
	[tilespmem:s29+$0xE430] =	vst v48;
	v8 =	vmul.f32 v40, v8;
	v0 =	vadd.f32 v0, v63  }
0x139: {  	v49 =	vmul.f32 v14, v61;
	v10 =	vmul.f32 v40, v10;
	v3 =	vadd.f32 v3, v56;
	[tilespmem:s29+$0xE4B0] =	vst v2  }
0x13a: {  	v50 =	vmul.f32 v40, v12;
	v1 =	vadd.f32 v1, v5;
	v51 =	vmul.f32 v8, v60;
	[tilespmem:s29+$0xE480] =	vst v0  }
0x13b: {  	v57 =	vmul.f32 v10, v62;
	[tilespmem:s29+$0xE420] =	vst v3;
	v3 =	vmul.f32 v40, v9;
	v9 =	vadd.f32 v49, v56  }
0x13c: {  	[tilespmem:s29+$0xE490] =	vst v1;
	v0 =	vmul.f32 v50, v61;
	v1 =	vadd.f32 v51, v5  }
0x13d: {  	p1 =	sne.s32 s24, $0x63;
	v58 =	vadd.f32 v57, v6;
	v3 =	vmul.f32 v3, v59;
	[tilespmem:s29+$0xE4A0] =	vst v9  }
.Ltmp3:
0x13e: {  	v0 =	vadd.f32 v0, v56;
	[tilespmem:s29+$0xE510] =	vst v1;
	(pc) =	sbr.rel @p1 .LBB2_6-.Ltmp3, $4  }
0x13f: {  	s31 =	sadd.s32 s6, s25;
	[tilespmem:s29+$0xE530] =	vst v58;
	v3 =	vadd.f32 v3, v63  }
0x140: {  	s0 =	sshll.u32 s31, $0xB;
	[tilespmem:s29+$0xE520] =	vst v0  }
0x141: {  	s0 =	sadd.s32 s7, s0;
	[tilespmem:s29+$0xE500] =	vst v3  }
0x142: {  	v55 =	vmov v5;
	v5 =	vmov v6;
	[hbm4b:s0+s4] =	stream.linear.scatter [tilespmem:s18], [sflag:$0x3], $0x4000, $0x38;
	[tilespmem:$0x16480] =	vst v63  }
.Ltmp4:
0x143: {  	(pc) =	sbr.rel .LBB2_7-.Ltmp4, $4  }
0x144: {  	_ = 	snop  }
0x145: {  	_ =	swait.ge [sflag:s19], $0x4000  }
0x146: {  	[sflag:s19] =	ssyncset.done $0x0  }
0x147: {  	[sflag:s19] =	ssyncadd.s32 $0xFFFFC000  }
.LBB2_6:
0x148: {  	s0 =	sshll.u32 s24, $0x8  }
0x149: {  	s0 =	sand.u32 $0x3FFFFF00, s0  }
.Ltmp5:
0x14a: {  	s0 =	sadd.s32 $0x100, s0;
	(pc) =	sbr.rel @p0 .LBB2_8-.Ltmp5, $4  }
0x14b: {  	[tilespmem:s15], [sflag:$0x1] =	stream.indirect.gather [hbm4b:s5+s14], $0x80, s0, s14, $0xb8;
	[tilespmem:$0x16480] =	vst v63  }
0x14c: {  	_ =	swait.ge [sflag:s19], $0x4000  }
0x14d: {  	[sflag:s19] =	ssyncset.done $0x0  }
0x14e: {  	[sflag:s19] =	ssyncadd.s32 $0xFFFFC000  }
.LBB2_7:
0x14f: {  	_ =	swait.ge [sflag:s20], $0x4000  }
0x150: {  	[sflag:s20] =	ssyncset.done $0x0  }
0x151: {  	[sflag:s20] =	ssyncadd.s32 $0xFFFFC000  }
.LBB2_8:
0x152: {  	s26 =	simm.s32 $0x0  }
0x153: {  	v14 =	vld [tilespmem:s26+$0xA580]  }
0x154: {  	v13 =	vld [tilespmem:s26+$0xA590]  }
0x155: {  	v12 =	vld [tilespmem:s26+$0xA5A0]  }
0x156: {  	v25 =	vld [tilespmem:s26+$0xA5B0];
	_ =	sdelay $0x3  }
0x157: {  	v0 =	vmul.f32 v14, v14;
	v1 =	vmul.f32 v13, v13  }
0x158: {  	v2 =	vmul.f32 v12, v12;
	v3 =	vmul.f32 v25, v25  }
0x159: {  	v8 =	vadd.f32 v13, v14;
	v9 =	vadd.f32 v25, v12  }
0x15a: {  	v0 =	vadd.f32 v1, v0;
	v45 =	vadd.f32 v3, v2  }
0x15b: {  	v47 =	vld [tilespmem:s26+$0xA410];
	v46 =	vadd.f32 v9, v8  }
0x15c: {  	v48 =	vld [tilespmem:s26+$0xA420];
	v0 =	vadd.f32 v45, v0  }
0x15d: {  	v49 =	vld [tilespmem:s26+$0xA430];
	(xrf2) =	vadd.scan.msk.f32 $0xffff, v46  }
0x15e: {  	v20 =	vld [tilespmem:s26+$0xA480];
	(xrf2) =	vadd.scan.msk.f32 $0xffff, v0  }
0x15f: {  	v21 =	vld [tilespmem:s26+$0xA490]  }
0x160: {  	v22 =	vld [tilespmem:s26+$0xA4A0]  }
0x161: {  	v3 =	vld [tilespmem:s26+$0xA400]  }
0x162: {  	v23 =	vld [tilespmem:s26+$0xA4B0]  }
0x163: {  	v28 =	vld [tilespmem:s26+$0xA500]  }
0x164: {  	v17 =	vld [tilespmem:s26+$0xA510]  }
0x165: {  	v16 =	vld [tilespmem:s26+$0xA520]  }
0x166: {  	v15 =	vld [tilespmem:s26+$0xA530];
	v9 =	vadd.f32 v49, v48;
	v8 =	vadd.f32 v47, v3  }
0x167: {  	v10 =	vadd.f32 v21, v20;
	v18 =	vadd.f32 v23, v22;
	v11, _, _ =	vpop (xrf2)  }
0x168: {  	v8 =	vadd.f32 v9, v8;
	(v2sf) =	vpush v11, $0xF;
	v11, _, _ =	vpop (xrf2)  }
0x169: {  	v19 =	vmul.f32 v48, v48;
	v24 =	vmul.f32 v49, v49;
	(v2sf) =	vpush v11, $0xF  }
0x16a: {  	v10 =	vadd.f32 v18, v10;
	v9 =	vmul.f32 v3, v3;
	(xrf2) =	vadd.scan.msk.f32 $0xffff, v8;
	v11 =	vmul.f32 v47, v47  }
0x16b: {  	v18 =	vadd.f32 v15, v16;
	v8 =	vadd.f32 v17, v28  }
0x16c: {  	v9 =	vadd.f32 v11, v9;
	v11 =	vadd.f32 v24, v19  }
0x16d: {  	(xrf2) =	vadd.scan.msk.f32 $0xffff, v10;
	v8 =	vadd.f32 v18, v8  }
0x16e: {  	v9 =	vadd.f32 v11, v9  }
0x16f: {  	(xrf2) =	vadd.scan.msk.f32 $0xffff, v8  }
0x170: {  	(xrf2) =	vadd.scan.msk.f32 $0xffff, v9;
	v9 =	vmul.f32 v21, v21;
	_ =	sdelay $0x1  }
0x171: {  	v10 =	vmul.f32 v22, v22;
	v8 =	vmul.f32 v20, v20  }
0x172: {  	v18 =	vmul.f32 v28, v28;
	v11 =	vmul.f32 v23, v23  }
0x173: {  	v26 =	vmul.f32 v15, v15;
	v24 =	vmul.f32 v16, v16;
	v8 =	vadd.f32 v9, v8;
	v9, _, _ =	vpop (xrf2)  }
0x174: {  	v19 =	vmul.f32 v17, v17;
	v10 =	vadd.f32 v11, v10;
	(v2sf) =	vpush v9, $0xF  }
0x175: {  	v11 =	vadd.f32 v26, v24  }
0x176: {  	v8 =	vadd.f32 v10, v8;
	v9 =	vadd.f32 v19, v18;
	v18, _, _ =	vpop (xrf2);
	s0 =	spop (v2sf)  }
0x177: {  	(v2sf) =	vpush v18, $0xF;
	s0 =	smul.f32 $1.562500000e-02, s0;
	s1 =	spop (v2sf)  }
0x178: {  	v9 =	vadd.f32 v11, v9;
	s1 =	smul.f32 $1.562500000e-02, s1  }
0x179: {  	(xrf2) =	vadd.scan.msk.f32 $0xffff, v8;
	s2 =	smul.f32 s0, s0  }
0x17a: {  	v8, _, _ =	vpop (xrf2);
	(xrf2) =	vadd.scan.msk.f32 $0xffff, v9  }
0x17b: {  	s1 =	ssub.f32 s1, s2;
	_ =	sdelay $0x1  }
0x17c: {  	(v2sf) =	vpush v8, $0xF;
	v8, _, _ =	vpop (xrf2);
	s1 =	sadd.f32 $9.999999740e-06, s1  }
0x17d: {  	(v2sf) =	vpush v8, $0xF  }
0x17e: {  	v8 =	vmov s1  }
0x17f: {  	v9 =	vshra.s32 v8, $0x1;
	v24 =	vmul.f32 $5.000000000e-01, v8  }
0x180: {  	v18 =	vsub.s32 $0x5F3759DF, v9  }
0x181: {  	s28 =	simm.s32 $0x200;
	v8 =	vmul.f32 v18, v24  }
0x182: {  	v11 =	vld [tilespmem:s28+$0xA5A0];
	v9, _, _ =	vpop (xrf2);
	s3 =	spop (v2sf)  }
0x183: {  	v40 =	vmov s0;
	(v2sf) =	vpush v9, $0xF;
	v9, _, _ =	vpop (xrf2);
	v10 =	vmul.f32 v18, v8;
	v8 =	vld [tilespmem:s28+$0xA580];
	s1 =	smul.f32 $1.562500000e-02, s3  }
0x184: {  	v54 =	vsub.f32 v25, v40;
	(v2sf) =	vpush v9, $0xF;
	v9 =	vld [tilespmem:s28+$0xA590]  }
0x185: {  	v14 =	vsub.f32 v14, v40;
	s12 =	spop (v2sf);
	v19 =	vsub.f32 $1.500000000e+00, v10;
	v26 =	vmov s1;
	v10 =	vld [tilespmem:s28+$0xA5B0]  }
0x186: {  	v13 =	vsub.f32 v13, v40;
	s2 =	smul.f32 $1.562500000e-02, s12;
	v32 =	vsub.f32 v3, v26  }
0x187: {  	v25 =	vld [tilespmem:s28+$0xA510];
	v53 =	vmul.f32 v11, v11;
	v30 =	vsub.f32 v47, v26;
	v33 =	vsub.f32 v48, v26  }
0x188: {  	v31 =	vsub.f32 v49, v26;
	v26 =	vld [tilespmem:s28+$0xA490];
	v50 =	vmul.f32 v18, v19;
	v51 =	vmov s2  }
0x189: {  	v18 =	vld [tilespmem:s28+$0xA400];
	v34 =	vsub.f32 v21, v51;
	v36 =	vsub.f32 v22, v51;
	v3 =	vmul.f32 v8, v8  }
0x18a: {  	v19 =	vld [tilespmem:s28+$0xA410];
	v37 =	vsub.f32 v23, v51;
	v27 =	vmul.f32 v9, v9;
	v23 =	vmul.f32 v10, v10  }
0x18b: {  	s1 =	smul.f32 s1, s1;
	s3 =	spop (v2sf);
	v21 =	vld [tilespmem:s28+$0xA420];
	v29 =	vadd.f32 v9, v8;
	v38 =	vadd.f32 v10, v11  }
0x18c: {  	s3 =	smul.f32 $1.562500000e-02, s3;
	s12 =	spop (v2sf);
	v22 =	vld [tilespmem:s28+$0xA430];
	v3 =	vadd.f32 v27, v3;
	v0 =	vadd.f32 v23, v53  }
0x18d: {  	v35 =	vsub.f32 v20, v51;
	v20 =	vld [tilespmem:s28+$0xA480];
	v52 =	vmul.f32 v50, v24;
	s12 =	smul.f32 $1.562500000e-02, s12;
	v29 =	vadd.f32 v38, v29  }
0x18e: {  	v12 =	vsub.f32 v12, v40;
	v24 =	vld [tilespmem:s28+$0xA4A0];
	v39 =	vmov s3;
	v0 =	vadd.f32 v0, v3  }
0x18f: {  	s1 =	ssub.f32 s12, s1;
	v2 =	vmul.f32 v52, v50;
	v27 =	vld [tilespmem:s28+$0xA4B0];
	v49 =	vmul.f32 v26, v26;
	v38 =	vsub.f32 v28, v39;
	(xrf2) =	vadd.scan.msk.f32 $0xffff, v29  }
0x190: {  	v23 =	vld [tilespmem:s28+$0xA500];
	v42 =	vmul.f32 v18, v18;
	v43 =	vadd.f32 v19, v18;
	v44 =	vmul.f32 v19, v19;
	(xrf2) =	vadd.scan.msk.f32 $0xffff, v0  }
0x191: {  	v28 =	vld [tilespmem:s28+$0xA520];
	s1 =	sadd.f32 $9.999999740e-06, s1;
	v2 =	vsub.f32 $1.500000000e+00, v2;
	v57 =	vadd.f32 v22, v21;
	v45 =	vmul.f32 v21, v21  }
0x192: {  	s0 =	smul.f32 s2, s2;
	v46 =	vmul.f32 v22, v22;
	v47 =	vadd.f32 v26, v20;
	v48 =	vmul.f32 v20, v20;
	v29 =	vld [tilespmem:s28+$0xA530]  }
0x193: {  	v42 =	vadd.f32 v44, v42;
	v3 =	vmov s1;
	v1 =	vmul.f32 v2, v50;
	s1 =	smul.f32 s3, s3;
	s3 =	spop (v2sf)  }
0x194: {  	v50 =	vmul.f32 v24, v24;
	v45 =	vadd.f32 v46, v45;
	v48 =	vadd.f32 v49, v48;
	s2 =	smul.f32 $1.562500000e-02, s3;
	s12 =	spop (v2sf)  }
0x195: {  	v41 =	vshra.s32 v3, $0x1;
	v0 =	vadd.f32 v57, v43;
	v58 =	vadd.f32 v27, v24;
	s3 =	smul.f32 $1.562500000e-02, s12  }
0x196: {  	v51 =	vmul.f32 v27, v27;
	v3 =	vmul.f32 $5.000000000e-01, v3;
	v52 =	vadd.f32 v25, v23;
	s0 =	ssub.f32 s2, s0  }
0x197: {  	v2 =	vmul.f32 v1, v54;
	(xrf2) =	vadd.scan.msk.f32 $0xffff, v0;
	v43 =	vadd.f32 v58, v47;
	v57 =	vadd.f32 v29, v28;
	s1 =	ssub.f32 s3, s1  }
0x198: {  	v53 =	vmul.f32 v23, v23;
	v42 =	vadd.f32 v45, v42;
	v41 =	vsub.s32 $0x5F3759DF, v41;
	s0 =	sadd.f32 $9.999999740e-06, s0  }
0x199: {  	v14 =	vmul.f32 v1, v14;
	v47 =	vmul.f32 v28, v28;
	(xrf2) =	vadd.scan.msk.f32 $0xffff, v43;
	v44 =	vadd.f32 v57, v52;
	v58, _, _ =	vpop (xrf2)  }
0x19a: {  	v45 =	vmul.f32 v41, v3;
	s1 =	sadd.f32 $9.999999740e-06, s1;
	v49 =	vmov s0;
	(v2sf) =	vpush v58, $0xF;
	v58, _, _ =	vpop (xrf2)  }
0x19b: {  	(xrf2) =	vadd.scan.msk.f32 $0xffff, v44;
	v57 =	vshra.s32 v49, $0x1;
	v49 =	vmul.f32 $5.000000000e-01, v49;
	(v2sf) =	vpush v58, $0xF  }
0x19c: {  	v43 =	vmov s1;
	(xrf2) =	vadd.scan.msk.f32 $0xffff, v42;
	v42 =	vmul.f32 v41, v45;
	v44 =	vsub.s32 $0x5F3759DF, v57  }
0x19d: {  	v54 =	vshra.s32 v43, $0x1;
	v43 =	vmul.f32 $5.000000000e-01, v43;
	v57 =	vmul.f32 v44, v49  }
0x19e: {  	v50 =	vadd.f32 v51, v50;
	v46 =	vmul.f32 v29, v29;
	v51 =	vsub.s32 $0x5F3759DF, v54  }
0x19f: {  	v0 =	vmul.f32 v25, v25;
	v42 =	vsub.f32 $1.500000000e+00, v42;
	v58 =	vmul.f32 v51, v43  }
0x1a0: {  	v45 =	vadd.f32 v46, v47;
	v46 =	vadd.f32 v50, v48;
	v54 =	vmul.f32 v44, v57  }
0x1a1: {  	v41 =	vmul.f32 v41, v42;
	v58 =	vmul.f32 v51, v58;
	v57, _, _ =	vpop (xrf2)  }
0x1a2: {  	v13 =	vmul.f32 v1, v13;
	v1 =	vmul.f32 v1, v12;
	(xrf2) =	vadd.scan.msk.f32 $0xffff, v46;
	(v2sf) =	vpush v57, $0xF  }
0x1a3: {  	v0 =	vadd.f32 v0, v53;
	v47 =	vsub.f32 $1.500000000e+00, v54;
	v3 =	vmul.f32 v41, v3;
	v53, _, _ =	vpop (xrf2)  }
0x1a4: {  	v2 =	vmul.f32 v2, v62;
	v52 =	vsub.f32 $1.500000000e+00, v58;
	(v2sf) =	vpush v53, $0xF  }
0x1a5: {  	v17 =	vsub.f32 v17, v39;
	v54 =	vmul.f32 v44, v47;
	v3 =	vmul.f32 v3, v41;
	v58, _, _ =	vpop (xrf2)  }
0x1a6: {  	v0 =	vadd.f32 v45, v0;
	v57 =	vmul.f32 v51, v52;
	(v2sf) =	vpush v58, $0xF  }
0x1a7: {  	v14 =	vmul.f32 v14, v59;
	v48 =	vmul.f32 v54, v49;
	v3 =	vsub.f32 $1.500000000e+00, v3  }
0x1a8: {  	v16 =	vsub.f32 v16, v39;
	v13 =	vmul.f32 v13, v60;
	(xrf2) =	vadd.scan.msk.f32 $0xffff, v0;
	v12, _, _ =	vpop (xrf2);
	v49 =	vmul.f32 v57, v43  }
0x1a9: {  	(v2sf) =	vpush v12, $0xF;
	v50 =	vmul.f32 v48, v54;
	v3 =	vmul.f32 v3, v41;
	s1 =	spop (v2sf)  }
0x1aa: {  	v15 =	vsub.f32 v15, v39;
	v1 =	vmul.f32 v1, v61;
	v0 =	vmul.f32 v49, v57;
	s30 =	smul.f32 $1.562500000e-02, s1;
	s2 =	spop (v2sf)  }
0x1ab: {  	v12 =	vsub.f32 $1.500000000e+00, v50;
	v32 =	vmul.f32 v3, v32;
	v33 =	vmul.f32 v3, v33;
	s0 =	smul.f32 $1.562500000e-02, s2  }
0x1ac: {  	v30 =	vmul.f32 v3, v30;
	v3 =	vmul.f32 v3, v31;
	v0 =	vsub.f32 $1.500000000e+00, v0;
	v51, _, _ =	vpop (xrf2);
	s3 =	smul.f32 s30, s30  }
0x1ad: {  	v12 =	vmul.f32 v12, v54;
	v40 =	vmul.f32 v33, v61;
	(v2sf) =	vpush v51, $0xF  }
0x1ae: {  	v2 =	vadd.f32 v2, v5;
	v33 =	vmul.f32 v3, v62;
	v0 =	vmul.f32 v0, v57;
	s0 =	ssub.f32 s0, s3  }
0x1af: {  	v14 =	vadd.f32 v14, v63;
	v35 =	vmul.f32 v12, v35;
	v39 =	vmul.f32 v12, v34  }
0x1b0: {  	v1 =	vadd.f32 v1, v56;
	v42 =	vmul.f32 v12, v36;
	v43 =	vmul.f32 v12, v37;
	s0 =	sadd.f32 $9.999999740e-06, s0  }
0x1b1: {  	v31 =	vadd.f32 v13, v55;
	v44 =	vmul.f32 v0, v38;
	v36 =	vmul.f32 v0, v17;
	s12 =	spop (v2sf)  }
0x1b2: {  	v13, _, _ =	vpop (xrf2);
	v37 =	vmul.f32 v0, v16;
	v38 =	vmul.f32 v0, v15;
	s1 =	smul.f32 $1.562500000e-02, s12;
	v16 =	vmov s0  }
0x1b3: {  	(v2sf) =	vpush v13, $0xF;
	s2 =	spop (v2sf);
	v52 =	vshra.s32 v16, $0x1;
	v53 =	vmul.f32 $5.000000000e-01, v16  }
0x1b4: {  	[tilespmem:s26+$0x125B0] =	vst v2;
	v34 =	vmul.f32 v35, v59;
	s0 =	smul.f32 $1.562500000e-02, s2;
	v12 =	vmov s1;
	v0 =	vsub.s32 $0x5F3759DF, v52  }
0x1b5: {  	[tilespmem:s26+$0x12580] =	vst v14;
	s3 =	spop (v2sf);
	v13 =	vsub.f32 v18, v12;
	v16 =	vsub.f32 v21, v12;
	v21 =	vmul.f32 v0, v53  }
0x1b6: {  	[tilespmem:s26+$0x125A0] =	vst v1;
	v17 =	vsub.f32 v19, v12;
	v12 =	vsub.f32 v22, v12;
	v54 =	vmov s0;
	s2 =	smul.f32 $1.562500000e-02, s3  }
0x1b7: {  	s29 =	simm.s32 $0x400;
	[tilespmem:s26+$0x12590] =	vst v31;
	v18 =	vsub.f32 v20, v54;
	v14 =	vsub.f32 v26, v54;
	v57 =	vmul.f32 v0, v21  }
0x1b8: {  	v31 =	vld [tilespmem:s29+$0xA580];
	s1 =	smul.f32 s1, s1;
	s12 =	spop (v2sf);
	v19 =	vsub.f32 v24, v54;
	v15 =	vsub.f32 v27, v54;
	v58 =	vmov s2  }
0x1b9: {  	v35 =	vld [tilespmem:s29+$0xA5B0];
	v26 =	vmul.f32 v32, v59;
	s12 =	smul.f32 $1.562500000e-02, s12;
	v21 =	vsub.f32 v23, v58;
	v1 =	vsub.f32 $1.500000000e+00, v57  }
0x1ba: {  	v27 =	vmul.f32 v30, v60;
	v32 =	vld [tilespmem:s29+$0xA590];
	v22 =	vsub.f32 v25, v58;
	v20 =	vsub.f32 v28, v58  }
0x1bb: {  	s3 =	smul.f32 s0, s0;
	v30 =	vld [tilespmem:s29+$0xA5A0];
	s12 =	ssub.f32 s12, s1;
	v23 =	vsub.f32 v29, v58;
	v29 =	vmul.f32 v39, v60;
	v49 =	vmul.f32 v0, v1  }
0x1bc: {  	v6 =	vmovc v5;
	v24 =	vld [tilespmem:s29+$0xA400];
	s0 =	smul.f32 s2, s2;
	v41 =	vadd.f32 v26, v63;
	v28 =	vmul.f32 v42, v61;
	v26 =	vmul.f32 v43, v62;
	s2 =	spop (v2sf)  }
0x1bd: {  	s31 =	simm.s32 $0x1800;
	v5 =	vmovc v55;
	v25 =	vld [tilespmem:s29+$0xA410];
	v43 =	vadd.f32 v27, v55;
	v27 =	vmul.f32 v44, v59;
	s1 =	smul.f32 $1.562500000e-02, s2;
	s2 =	sadd.f32 $9.999999740e-06, s12;
	v50 =	vmul.f32 v49, v53  }
.LBB2_9:
0x1be: {  	_ = 	snop  }
0x1bf: {  	v39 =	vld [tilespmem:s29+$0xA420];
	v48 =	vmul.f32 v36, v60;
	[tilespmem:s26+$0x12400] =	vst v41;
	v0 =	vadd.f32 v40, v56  }
0x1c0: {  	v36 =	vmul.f32 v37, v61;
	v37 =	vmul.f32 v38, v62;
	v51 =	vmov s30;
	v40 =	vld [tilespmem:s29+$0xA430];
	[tilespmem:s26+$0x12410] =	vst v43  }
0x1c1: {  	v1 =	vmov s2;
	v2 =	vmul.f32 v50, v49;
	v41 =	vld [tilespmem:s29+$0xA480];
	[tilespmem:s26+$0x12420] =	vst v0;
	v3 =	vadd.f32 v32, v31  }
0x1c2: {  	v59 =	vadd.f32 v35, v30;
	v42 =	vld [tilespmem:s29+$0xA490];
	v60 =	vmul.f32 v31, v31;
	v44 =	vmul.f32 v32, v32  }
0x1c3: {  	v61 =	vsub.f32 v10, v51;
	v43 =	vld [tilespmem:s29+$0xA4A0];
	v46 =	vmul.f32 v30, v30;
	v47 =	vmul.f32 v35, v35  }
0x1c4: {  	v50 =	vshra.s32 v1, $0x1;
	v2 =	vsub.f32 $1.500000000e+00, v2;
	v45 =	vld [tilespmem:s29+$0xA4B0];
	v3 =	vadd.f32 v59, v3  }
0x1c5: {  	v10 =	vmovc v35;
	v35 =	vld [tilespmem:s29+$0xA500];
	v38 =	vmul.f32 v25, v25;
	v0 =	vadd.f32 v44, v60;
	v47 =	vadd.f32 v47, v46  }
0x1c6: {  	v52 =	vadd.f32 v25, v24;
	v2 =	vmul.f32 v2, v49;
	v49 =	vmul.f32 v24, v24;
	v44 =	vld [tilespmem:s29+$0xA510];
	(xrf2) =	vadd.scan.msk.f32 $0xffff, v3  }
0x1c7: {  	v54 =	vmul.f32 v39, v39;
	v46 =	vld [tilespmem:s29+$0xA520];
	v53 =	vadd.f32 v40, v39;
	v0 =	vadd.f32 v47, v0  }
0x1c8: {  	v55 =	vmul.f32 v40, v40;
	v38 =	vadd.f32 v38, v49;
	v3 =	vmul.f32 v2, v61;
	v47 =	vld [tilespmem:s29+$0xA530]  }
0x1c9: {  	v58 =	vmul.f32 v41, v41;
	v56 =	vadd.f32 v42, v41;
	v59 =	vmul.f32 v42, v42;
	(xrf2) =	vadd.scan.msk.f32 $0xffff, v0  }
0x1ca: {  	v57 =	vadd.f32 v45, v43;
	v60 =	vmul.f32 v45, v45;
	v3 =	vmul.f32 v3, v62  }
0x1cb: {  	v52 =	vadd.f32 v53, v52;
	v0 =	vmul.f32 v43, v43;
	v62 =	vmul.f32 v35, v35  }
0x1cc: {  	s1 =	ssub.f32 s1, s3;
	v61 =	vadd.f32 v44, v35;
	v63 =	vmul.f32 v44, v44;
	v3 =	vadd.f32 v3, v6;
	s12 =	spop (v2sf)  }
0x1cd: {  	v49 =	vmul.f32 v46, v46;
	v0 =	vadd.f32 v60, v0;
	v53 =	vadd.f32 v47, v46;
	s3 =	smul.f32 $1.562500000e-02, s12  }
0x1ce: {  	s1 =	sadd.f32 $9.999999740e-06, s1;
	[tilespmem:s28+$0x125B0] =	vst v3;
	v3 =	vadd.f32 v55, v54;
	v54 =	vmul.f32 v47, v47;
	v55 =	vadd.f32 v57, v56  }
0x1cf: {  	v1 =	vmul.f32 $5.000000000e-01, v1;
	(xrf2) =	vadd.scan.msk.f32 $0xffff, v52;
	v56 =	vadd.f32 v59, v58;
	v58 =	vadd.f32 v63, v62;
	s0 =	ssub.f32 s3, s0  }
0x1d0: {  	v50 =	vsub.s32 $0x5F3759DF, v50;
	v53 =	vadd.f32 v53, v61;
	v49 =	vadd.f32 v54, v49;
	v63, _, _ =	vpop (xrf2);
	(xrf2) =	vadd.scan.msk.f32 $0xffff, v55  }
0x1d1: {  	v52 =	vmov s1;
	v3 =	vadd.f32 v3, v38;
	v0 =	vadd.f32 v0, v56;
	s0 =	sadd.f32 $9.999999740e-06, s0  }
0x1d2: {  	v38 =	vshra.s32 v52, $0x1;
	v52 =	vmul.f32 $5.000000000e-01, v52;
	v54 =	vmul.f32 v50, v1  }
0x1d3: {  	v38 =	vsub.s32 $0x5F3759DF, v38;
	(v2sf) =	vpush v63, $0xF;
	v63, _, _ =	vpop (xrf2);
	(xrf2) =	vadd.scan.msk.f32 $0xffff, v53;
	v57 =	vmov s0  }
0x1d4: {  	(v2sf) =	vpush v63, $0xF;
	v55 =	vshra.s32 v57, $0x1;
	v56 =	vmul.f32 $5.000000000e-01, v57  }
0x1d5: {  	v49 =	vadd.f32 v49, v58;
	v63 =	vmul.f32 v38, v52;
	(xrf2) =	vadd.scan.msk.f32 $0xffff, v3;
	v53 =	vsub.s32 $0x5F3759DF, v55  }
0x1d6: {  	v3 =	vmul.f32 v50, v54;
	v57 =	vsub.f32 v8, v51;
	v8 =	vmovc v31;
	v31 =	vmul.f32 v53, v56  }
0x1d7: {  	v58 =	vsub.f32 v9, v51;
	v9 =	vmovc v32;
	v51 =	vsub.f32 v11, v51;
	v32 =	vmul.f32 v38, v63  }
0x1d8: {  	v11 =	vmovc v30;
	v55 =	vadd.f32 v33, v6;
	v3 =	vsub.f32 $1.500000000e+00, v3;
	v63 =	vmul.f32 v53, v31  }
0x1d9: {  	v33, _, _ =	vpop (xrf2);
	(xrf2) =	vadd.scan.msk.f32 $0xffff, v0;
	v54 =	vmul.f32 v2, v57;
	v57 =	vmul.f32 v2, v58;
	v58 =	vsub.f32 $1.500000000e+00, v32  }
0x1da: {  	(v2sf) =	vpush v33, $0xF;
	v3 =	vmul.f32 v50, v3;
	v30 =	vsub.f32 $1.500000000e+00, v63;
	v31, _, _ =	vpop (xrf2);
	(xrf2) =	vadd.scan.msk.f32 $0xffff, v49;
	v49 =	vld [tilespmem:$0x1FFC0]  }
0x1db: {  	v29 =	vadd.f32 v29, v5;
	v0 =	vmul.f32 v38, v58  }
0x1dc: {  	v26 =	vadd.f32 v26, v6;
	v60 =	vld [tilespmem:$0x1FFE0];
	v1 =	vmul.f32 v3, v1;
	v30 =	vmul.f32 v53, v30  }
0x1dd: {  	v61 =	vld [tilespmem:$0x1FFF0];
	v2 =	vmul.f32 v2, v51;
	(v2sf) =	vpush v31, $0xF;
	v51 =	vmul.f32 v0, v52;
	v50, _, _ =	vpop (xrf2)  }
0x1de: {  	v59 =	vld [tilespmem:$0x1FFD0];
	v1 =	vmul.f32 v1, v3;
	(v2sf) =	vpush v50, $0xF;
	v52 =	vmul.f32 v30, v56  }
0x1df: {  	[tilespmem:s26+$0x12490] =	vst v29;
	v56 =	vld [tilespmem:$0x1FFC0];
	v28 =	vadd.f32 v28, v49  }
0x1e0: {  	[tilespmem:s26+$0x124B0] =	vst v26;
	v26 =	vadd.f32 v27, v4;
	v27, _, _ =	vpop (xrf2);
	v1 =	vsub.f32 $1.500000000e+00, v1;
	v29 =	vmul.f32 v52, v30  }
0x1e1: {  	v34 =	vadd.f32 v34, v4;
	(v2sf) =	vpush v27, $0xF;
	[tilespmem:s26+$0x124A0] =	vst v28;
	v28 =	vmul.f32 v51, v0  }
0x1e2: {  	v2 =	vmul.f32 v2, v61;
	v1 =	vmul.f32 v1, v3;
	s12 =	spop (v2sf);
	v3 =	vsub.f32 $1.500000000e+00, v29  }
0x1e3: {  	v63 =	vmul.f32 v54, v59;
	v31 =	vmul.f32 v57, v60;
	s30 =	smul.f32 $1.562500000e-02, s12;
	s1 =	spop (v2sf);
	v27 =	vsub.f32 $1.500000000e+00, v28  }
0x1e4: {  	[tilespmem:s26+$0x12500] =	vst v26;
	v53 =	vadd.f32 v48, v5;
	v26 =	vadd.f32 v36, v56;
	s0 =	smul.f32 $1.562500000e-02, s1;
	v3 =	vmul.f32 v3, v30  }
0x1e5: {  	[tilespmem:s26+$0x12480] =	vst v34;
	v29 =	vadd.f32 v37, v6;
	s2 =	smul.f32 s30, s30;
	v30 =	vmul.f32 v1, v16;
	v28, _, _ =	vpop (xrf2);
	v0 =	vmul.f32 v27, v0  }
0x1e6: {  	[tilespmem:s26+$0x12520] =	vst v26;
	v26 =	vmul.f32 v1, v17;
	(v2sf) =	vpush v28, $0xF;
	v28 =	vmul.f32 v1, v13  }
0x1e7: {  	[tilespmem:s26+$0x12430] =	vst v55;
	v2 =	vadd.f32 v2, v56;
	s0 =	ssub.f32 s0, s2;
	v1 =	vmul.f32 v1, v12;
	v51 =	vmul.f32 v3, v21  }
0x1e8: {  	[tilespmem:s26+$0x12510] =	vst v53;
	v27 =	vadd.f32 v63, v4;
	v36 =	vmul.f32 v3, v22;
	v37 =	vmul.f32 v3, v20  }
0x1e9: {  	[tilespmem:s26+$0x12530] =	vst v29;
	s26 =	smov.u32 s28;
	s3 =	spop (v2sf);
	v13 =	vadd.f32 v31, v5;
	v16, _, _ =	vpop (xrf2);
	v38 =	vmul.f32 v3, v23;
	v29 =	vmul.f32 v0, v18;
	s0 =	sadd.f32 $9.999999740e-06, s0  }
0x1ea: {  	s1 =	smul.f32 $1.562500000e-02, s3;
	[tilespmem:s26+$0x12580] =	vst v27;
	(v2sf) =	vpush v16, $0xF;
	v27 =	vmul.f32 v0, v14;
	v48 =	vmul.f32 v0, v19  }
0x1eb: {  	v0 =	vmul.f32 v0, v15;
	v63 =	vmul.f32 v26, v60;
	v12 =	vmov s0  }
0x1ec: {  	s2 =	smul.f32 s1, s1;
	v54 =	vmov s1;
	s12 =	spop (v2sf);
	v3 =	vshra.s32 v12, $0x1;
	v55 =	vmul.f32 $5.000000000e-01, v12  }
0x1ed: {  	[tilespmem:s26+$0x12590] =	vst v13;
	v33 =	vmul.f32 v1, v7;
	v13 =	vsub.f32 v24, v54;
	s0 =	smul.f32 $1.562500000e-02, s12;
	v3 =	vsub.s32 $0x5F3759DF, v3;
	s1 =	spop (v2sf)  }
0x1ee: {  	v17 =	vsub.f32 v25, v54;
	v25 =	vmul.f32 v28, v59;
	v20 =	vmul.f32 v3, v55;
	s12 =	smul.f32 $1.562500000e-02, s1  }
0x1ef: {  	s28 =	smov.u32 s29;
	v16 =	vsub.f32 v39, v54;
	v34 =	vmul.f32 v29, v59;
	v29 =	vmul.f32 v27, v60;
	s3 =	smul.f32 s0, s0  }
0x1f0: {  	s29 =	sshra.s32 s31, $0x2;
	[tilespmem:s26+$0x125A0] =	vst v2;
	v57 =	vmov s0;
	v58 =	vmul.f32 v3, v20;
	s0 =	smul.f32 s12, s12;
	v23 =	vmov s12;
	s12 =	spop (v2sf)  }
0x1f1: {  	p0 =	sne.s32 s31, $0xF800;
	v31 =	vld [tilespmem:s29+$0xA580];
	v28 =	vmul.f32 v48, v61;
	v12 =	vsub.f32 v40, v54;
	v18 =	vsub.f32 v41, v57;
	s1 =	smul.f32 $1.562500000e-02, s12  }
.Ltmp6:
0x1f2: {  	v32 =	vld [tilespmem:s29+$0xA590];
	v26 =	vmul.f32 v0, v7;
	v14 =	vsub.f32 v42, v57;
	v2 =	vsub.f32 $1.500000000e+00, v58;
	(pc) =	sbr.rel @p0 .LBB2_9-.Ltmp6, $4  }
0x1f3: {  	v24 =	vld [tilespmem:s29+$0xA400];
	v40 =	vmul.f32 v30, v61;
	v19 =	vsub.f32 v43, v57;
	v15 =	vsub.f32 v45, v57  }
0x1f4: {  	v30 =	vld [tilespmem:s29+$0xA5A0];
	v41 =	vadd.f32 v25, v4;
	v43 =	vadd.f32 v63, v5;
	s2 =	ssub.f32 s1, s2;
	v49 =	vmul.f32 v3, v2  }
0x1f5: {  	v27 =	vmul.f32 v51, v59;
	v25 =	vld [tilespmem:s29+$0xA410];
	v21 =	vsub.f32 v35, v23;
	v22 =	vsub.f32 v44, v23;
	s12 =	spop (v2sf)  }
0x1f6: {  	v62 =	vmovc v7;
	s31 =	sadd.s32 $0x800, s31;
	v20 =	vsub.f32 v46, v23;
	v35 =	vld [tilespmem:s29+$0xA5B0];
	v23 =	vsub.f32 v47, v23;
	s2 =	sadd.f32 $9.999999740e-06, s2;
	v50 =	vmul.f32 v49, v55;
	s1 =	smul.f32 $1.562500000e-02, s12  }
0x1f7: {  	_ =	sdelay $0x1  }
0x1f8: {  	v0 =	vmul.f32 v31, v31  }
0x1f9: {  	v39 =	vld [tilespmem:s29+$0xA420];
	[tilespmem:s26+$0x12400] =	vst v41;
	v1 =	vmul.f32 v32, v32;
	v2 =	vadd.f32 v40, v56;
	v55 =	vadd.f32 v32, v31  }
0x1fa: {  	v42 =	vld [tilespmem:s29+$0xA430];
	[tilespmem:s26+$0x12410] =	vst v43;
	v3 =	vmul.f32 v30, v30;
	v54 =	vmul.f32 v35, v35;
	v44 =	vadd.f32 v35, v30  }
0x1fb: {  	v43 =	vld [tilespmem:s29+$0xA480];
	v0 =	vadd.f32 v1, v0;
	[tilespmem:s26+$0x12420] =	vst v2  }
0x1fc: {  	v48 =	vld [tilespmem:s29+$0xA490];
	v56 =	vadd.f32 v54, v3;
	v57 =	vadd.f32 v44, v55  }
0x1fd: {  	v45 =	vld [tilespmem:s29+$0xA4A0]  }
0x1fe: {  	v47 =	vld [tilespmem:s29+$0xA4B0];
	v0 =	vadd.f32 v56, v0;
	(xrf2) =	vadd.scan.msk.f32 $0xffff, v57  }
0x1ff: {  	v46 =	vld [tilespmem:s29+$0xA500]  }
0x200: {  	v40 =	vld [tilespmem:s29+$0xA520];
	(xrf2) =	vadd.scan.msk.f32 $0xffff, v0  }
0x201: {  	v50 =	vmul.f32 v50, v49;
	v44 =	vld [tilespmem:s29+$0xA510]  }
0x202: {  	v41 =	vld [tilespmem:s29+$0xA530];
	v1 =	vadd.f32 v25, v24;
	v51 =	vmul.f32 v39, v39;
	v2 =	vadd.f32 v42, v39  }
0x203: {  	v3 =	vmul.f32 v25, v25;
	v52 =	vadd.f32 v48, v43;
	v54 =	vadd.f32 v47, v45  }
0x204: {  	v53 =	vmul.f32 v42, v42;
	v56 =	vmov s2;
	v0 =	vmul.f32 v24, v24  }
0x205: {  	v1 =	vadd.f32 v2, v1;
	v57 =	vmul.f32 v43, v43;
	v52 =	vadd.f32 v54, v52  }
0x206: {  	s31 =	spop (v2sf);
	v58 =	vmul.f32 v48, v48;
	v55 =	vadd.f32 v44, v46;
	v0 =	vadd.f32 v3, v0  }
0x207: {  	s2 =	smul.f32 $1.562500000e-02, s31;
	v2 =	vshra.s32 v56, $0x1;
	v3 =	vadd.f32 v53, v51;
	v51 =	vadd.f32 v41, v40  }
0x208: {  	s1 =	ssub.f32 s1, s3;
	v54 =	vadd.f32 v58, v57;
	v57 =	vmul.f32 v41, v41;
	v2 =	vsub.s32 $0x5F3759DF, v2;
	v53, _, _ =	vpop (xrf2);
	(xrf2) =	vadd.scan.msk.f32 $0xffff, v1  }
0x209: {  	s0 =	ssub.f32 s2, s0;
	v51 =	vadd.f32 v51, v55;
	v55 =	vmul.f32 v46, v46;
	v0 =	vadd.f32 v3, v0  }
0x20a: {  	s1 =	sadd.f32 $9.999999740e-06, s1;
	v3 =	vmul.f32 v44, v44;
	(v2sf) =	vpush v53, $0xF;
	v53, _, _ =	vpop (xrf2);
	(xrf2) =	vadd.scan.msk.f32 $0xffff, v52;
	v52 =	vmul.f32 v40, v40  }
0x20b: {  	s0 =	sadd.f32 $9.999999740e-06, s0;
	v1 =	vmul.f32 v45, v45;
	(v2sf) =	vpush v53, $0xF;
	v53 =	vmul.f32 v47, v47;
	(xrf2) =	vadd.scan.msk.f32 $0xffff, v51  }
0x20c: {  	v3 =	vadd.f32 v3, v55;
	v51 =	vmov s1;
	(xrf2) =	vadd.scan.msk.f32 $0xffff, v0;
	v0 =	vadd.f32 v57, v52  }
0x20d: {  	v52 =	vmul.f32 $5.000000000e-01, v56;
	v1 =	vadd.f32 v53, v1;
	v53 =	vmov s0  }
0x20e: {  	v58 =	vshra.s32 v51, $0x1;
	v51 =	vmul.f32 $5.000000000e-01, v51;
	v57 =	vshra.s32 v53, $0x1  }
0x20f: {  	v56 =	vmul.f32 v2, v52;
	v1 =	vadd.f32 v1, v54;
	v54 =	vsub.s32 $0x5F3759DF, v58  }
0x210: {  	v53 =	vmul.f32 $5.000000000e-01, v53;
	v55 =	vsub.s32 $0x5F3759DF, v57;
	v57 =	vmul.f32 v54, v51  }
0x211: {  	v50 =	vsub.f32 $1.500000000e+00, v50;
	v56 =	vmul.f32 v2, v56  }
0x212: {  	v0 =	vadd.f32 v0, v3;
	(xrf2) =	vadd.scan.msk.f32 $0xffff, v1;
	v1 =	vmul.f32 v55, v53;
	v3, _, _ =	vpop (xrf2);
	v57 =	vmul.f32 v54, v57  }
0x213: {  	v49 =	vmul.f32 v50, v49;
	(v2sf) =	vpush v3, $0xF;
	v3 =	vsub.f32 $1.500000000e+00, v56  }
0x214: {  	(xrf2) =	vadd.scan.msk.f32 $0xffff, v0;
	v0 =	vmul.f32 v36, v60;
	v1 =	vmul.f32 v55, v1;
	v56 =	vsub.f32 $1.500000000e+00, v57  }
0x215: {  	v34 =	vadd.f32 v34, v4;
	v36 =	vmul.f32 v37, v61;
	v2 =	vmul.f32 v2, v3  }
0x216: {  	v37 =	vmul.f32 v38, v62;
	v1 =	vsub.f32 $1.500000000e+00, v1;
	v57, _, _ =	vpop (xrf2);
	v3 =	vmul.f32 v54, v56  }
0x217: {  	v56 =	vmov s30;
	(v2sf) =	vpush v57, $0xF;
	v58, _, _ =	vpop (xrf2);
	v57 =	vmul.f32 v2, v52  }
0x218: {  	v1 =	vmul.f32 v55, v1;
	v8 =	vsub.f32 v8, v56;
	(v2sf) =	vpush v58, $0xF;
	v54, _, _ =	vpop (xrf2)  }
0x219: {  	s1 =	spop (v2sf);
	v58 =	vmul.f32 v3, v51;
	(v2sf) =	vpush v54, $0xF;
	v38 =	vmul.f32 v57, v2  }
0x21a: {  	v10 =	vsub.f32 v10, v56;
	s0 =	smul.f32 $1.562500000e-02, s1;
	v51 =	vmul.f32 v49, v8;
	v8 =	vmul.f32 v1, v53;
	s2 =	spop (v2sf)  }
0x21b: {  	v9 =	vsub.f32 v9, v56;
	v11 =	vsub.f32 v11, v56;
	v56 =	vmul.f32 v58, v3;
	s1 =	smul.f32 $1.562500000e-02, s2  }
0x21c: {  	v10 =	vmul.f32 v49, v10;
	s3 =	smul.f32 s0, s0;
	v38 =	vsub.f32 $1.500000000e+00, v38;
	v8 =	vmul.f32 v8, v1  }
0x21d: {  	v52 =	vmul.f32 v49, v9;
	v49 =	vmul.f32 v49, v11;
	v55, _, _ =	vpop (xrf2);
	v9 =	vsub.f32 $1.500000000e+00, v56  }
0x21e: {  	(v2sf) =	vpush v55, $0xF;
	s1 =	ssub.f32 s1, s3;
	v2 =	vmul.f32 v38, v2;
	v8 =	vsub.f32 $1.500000000e+00, v8  }
0x21f: {  	v29 =	vadd.f32 v29, v5;
	v10 =	vmul.f32 v10, v62;
	v3 =	vmul.f32 v9, v3  }
0x220: {  	v63 =	vmovc v4;
	v4 =	vld [tilespmem:$0x1FFC0];
	v26 =	vadd.f32 v26, v6;
	s1 =	sadd.f32 $9.999999740e-06, s1;
	v1 =	vmul.f32 v8, v1;
	v50 =	vmul.f32 v2, v13  }
0x221: {  	v27 =	vadd.f32 v27, v63;
	v53 =	vmul.f32 v2, v17;
	v54 =	vmul.f32 v2, v16  }
0x222: {  	v2 =	vmul.f32 v2, v12;
	v55 =	vmul.f32 v3, v18;
	v57 =	vmov s1  }
0x223: {  	v56 =	vmul.f32 v3, v14;
	v58 =	vshra.s32 v57, $0x1;
	v11 =	vmul.f32 $5.000000000e-01, v57  }
0x224: {  	v21 =	vmul.f32 v1, v21;
	v22 =	vmul.f32 v1, v22;
	s12 =	spop (v2sf);
	v9 =	vsub.s32 $0x5F3759DF, v58  }
0x225: {  	v28 =	vadd.f32 v28, v4;
	v50 =	vmul.f32 v50, v59;
	s1 =	smul.f32 $1.562500000e-02, s12;
	v38 =	vmul.f32 v9, v11  }
0x226: {  	v0 =	vadd.f32 v0, v5;
	v8, _, _ =	vpop (xrf2);
	v2 =	vmul.f32 v2, v62;
	v57 =	vmul.f32 v3, v19;
	s30 =	spop (v2sf)  }
0x227: {  	(v2sf) =	vpush v8, $0xF;
	v3 =	vmul.f32 v3, v15;
	s31 =	smul.f32 s1, s1;
	v8 =	vmul.f32 v9, v38;
	s12 =	spop (v2sf)  }
0x228: {  	v58 =	vadd.f32 v33, v6;
	v38 =	vadd.f32 v10, v6;
	v10 =	vmov s1;
	s1 =	smul.f32 $1.562500000e-02, s30;
	s30 =	spop (v2sf)  }
0x229: {  	v33 =	vmul.f32 v1, v20;
	v20 =	vmul.f32 v1, v23;
	v8 =	vsub.f32 $1.500000000e+00, v8;
	s2 =	smul.f32 $1.562500000e-02, s30  }
0x22a: {  	v2 =	vadd.f32 v2, v6;
	v21 =	vmul.f32 v21, v59;
	v19 =	vsub.f32 v24, v10  }
0x22b: {  	v16 =	vsub.f32 v25, v10;
	v18 =	vsub.f32 v39, v10;
	[tilespmem:s28+$0x125B0] =	vst v38;
	v12 =	vmul.f32 v9, v8;
	s2 =	ssub.f32 s2, s31;
	s31 =	smul.f32 s1, s1  }
0x22c: {  	v38 =	vmul.f32 v3, v62;
	[tilespmem:s26+$0x12430] =	vst v58;
	v58 =	vmul.f32 v51, v59;
	v8 =	vmov s1;
	s1 =	smul.f32 $1.562500000e-02, s12  }
0x22d: {  	v51 =	vmul.f32 v53, v60;
	v15 =	vsub.f32 v43, v8;
	s30 =	spop (v2sf);
	v25 =	vmul.f32 v12, v11  }
0x22e: {  	v13 =	vsub.f32 v48, v8;
	v14 =	vsub.f32 v45, v8;
	s12 =	smul.f32 $1.562500000e-02, s30;
	s2 =	sadd.f32 $9.999999740e-06, s2;
	v43 =	vmov s1  }
0x22f: {  	v11 =	vsub.f32 v47, v8;
	v1 =	vmul.f32 v25, v12;
	v9 =	vsub.f32 v46, v43  }
0x230: {  	v8 =	vsub.f32 v44, v43;
	s31 =	ssub.f32 s12, s31;
	v25 =	vmov s0;
	v45 =	vmov s2  }
0x231: {  	v4 =	vld [tilespmem:$0x1FFC0];
	v47 =	vsub.f32 v35, v25;
	v1 =	vsub.f32 $1.500000000e+00, v1;
	v46 =	vshra.s32 v45, $0x1  }
0x232: {  	v44 =	vsub.f32 v31, v25;
	v23 =	vmul.f32 $5.000000000e-01, v45;
	s3 =	sadd.f32 $9.999999740e-06, s31;
	v24 =	vsub.s32 $0x5F3759DF, v46  }
0x233: {  	v46 =	vsub.f32 v32, v25;
	v25 =	vsub.f32 v30, v25;
	v1 =	vmul.f32 v1, v12  }
0x234: {  	v12 =	vsub.f32 v40, v43;
	v48 =	vmul.f32 v24, v23;
	v45 =	vmov s3  }
0x235: {  	[tilespmem:s26+$0x12480] =	vst v34;
	v40 =	vmul.f32 $5.000000000e-01, v45;
	v35 =	vmul.f32 v1, v47;
	v47 =	vshra.s32 v45, $0x1  }
0x236: {  	[tilespmem:s26+$0x12490] =	vst v29;
	v39 =	vmul.f32 v24, v48;
	v45 =	vadd.f32 v36, v4;
	v4 =	vld [tilespmem:$0x1FFC0];
	v30 =	vsub.s32 $0x5F3759DF, v47  }
0x237: {  	v17 =	vsub.f32 v42, v10;
	[tilespmem:s26+$0x124A0] =	vst v28;
	s1 =	smul.f32 s1, s1;
	s12 =	spop (v2sf);
	v31 =	vmul.f32 v1, v44;
	v48 =	vmul.f32 v30, v40  }
0x238: {  	[tilespmem:s26+$0x124B0] =	vst v26;
	v10 =	vsub.f32 v41, v43;
	s2 =	smul.f32 $1.562500000e-02, s12;
	v32 =	vmul.f32 v1, v46;
	v1 =	vmul.f32 v1, v25  }
0x239: {  	[tilespmem:s26+$0x12500] =	vst v27;
	v41 =	vsub.f32 $1.500000000e+00, v39;
	v25 =	vmul.f32 v30, v48;
	v48 =	vmul.f32 v49, v61  }
0x23a: {  	[tilespmem:s26+$0x12510] =	vst v0;
	v34 =	vadd.f32 v58, v63;
	v58 =	vmul.f32 v55, v59;
	s30 =	ssub.f32 s2, s1;
	v46 =	vadd.f32 v37, v6  }
0x23b: {  	v44 =	vmul.f32 v52, v60;
	[tilespmem:s26+$0x12520] =	vst v45;
	v24 =	vmul.f32 v24, v41;
	v29 =	vadd.f32 v48, v4;
	v4 =	vld [tilespmem:$0x1FFC0]  }
0x23c: {  	v27 =	vadd.f32 v50, v63;
	v52 =	vmul.f32 v54, v61;
	v37 =	vmul.f32 v57, v61;
	s0 =	sadd.f32 $9.999999740e-06, s30;
	[tilespmem:s26+$0x12530] =	vst v46  }
0x23d: {  	v53 =	vadd.f32 v51, v5;
	v54 =	vmul.f32 v35, v62;
	[tilespmem:s28+$0x12580] =	vst v34;
	v23 =	vmul.f32 v24, v23  }
0x23e: {  	[tilespmem:s28+$0x12400] =	vst v27;
	v42 =	vmov s0;
	v49 =	vadd.f32 v44, v5;
	v25 =	vsub.f32 $1.500000000e+00, v25  }
0x23f: {  	[tilespmem:s28+$0x12410] =	vst v53;
	v43 =	vshra.s32 v42, $0x1;
	v28 =	vmul.f32 $5.000000000e-01, v42;
	v23 =	vmul.f32 v23, v24  }
0x240: {  	v26 =	vsub.s32 $0x5F3759DF, v43;
	[tilespmem:s28+$0x12590] =	vst v49;
	v25 =	vmul.f32 v30, v25;
	v0 =	vadd.f32 v52, v4  }
0x241: {  	v34 =	vadd.f32 v54, v6;
	v47 =	vmul.f32 v26, v28;
	[tilespmem:s28+$0x125A0] =	vst v29;
	v23 =	vsub.f32 $1.500000000e+00, v23  }
0x242: {  	v21 =	vadd.f32 v21, v63;
	v35 =	vmul.f32 v56, v60;
	v36 =	vmul.f32 v25, v40;
	[tilespmem:s28+$0x12420] =	vst v0  }
0x243: {  	v30 =	vmul.f32 v26, v47;
	v4 =	vld [tilespmem:$0x1FFC0];
	v23 =	vmul.f32 v23, v24;
	v24 =	vadd.f32 v58, v63;
	[tilespmem:s29+$0x125B0] =	vst v34  }
0x244: {  	v46 =	vmul.f32 v31, v59;
	v3 =	vmul.f32 v36, v25;
	v0 =	vadd.f32 v35, v5;
	[tilespmem:s28+$0x12430] =	vst v2  }
0x245: {  	v1 =	vmul.f32 v1, v61;
	v41 =	vmul.f32 v22, v60;
	v30 =	vsub.f32 $1.500000000e+00, v30;
	[tilespmem:s28+$0x12480] =	vst v24  }
0x246: {  	v42 =	vmul.f32 v33, v61;
	v3 =	vsub.f32 $1.500000000e+00, v3;
	[tilespmem:s28+$0x12490] =	vst v0;
	v2 =	vadd.f32 v38, v6  }
0x247: {  	v47 =	vmul.f32 v32, v60;
	v26 =	vmul.f32 v26, v30;
	v0 =	vadd.f32 v41, v5;
	[tilespmem:s28+$0x12500] =	vst v21  }
0x248: {  	v39 =	vadd.f32 v37, v4;
	v44 =	vmul.f32 v3, v25;
	v3 =	vmul.f32 v20, v62;
	[tilespmem:s28+$0x124B0] =	vst v2  }
0x249: {  	v19 =	vmul.f32 v23, v19;
	v16 =	vmul.f32 v23, v16;
	v22 =	vadd.f32 v42, v4;
	[tilespmem:s28+$0x12510] =	vst v0  }
0x24a: {  	v17 =	vmul.f32 v23, v17;
	v28 =	vmul.f32 v26, v28;
	[tilespmem:s28+$0x124A0] =	vst v39;
	v3 =	vadd.f32 v3, v6  }
0x24b: {  	v21 =	vadd.f32 v46, v63;
	v48 =	vmul.f32 v19, v59;
	v16 =	vmul.f32 v16, v60;
	[tilespmem:s28+$0x12520] =	vst v22  }
0x24c: {  	v52 =	vmul.f32 v17, v62;
	v40 =	vmul.f32 v28, v26;
	v0 =	vadd.f32 v47, v5;
	[tilespmem:s28+$0x12530] =	vst v3  }
0x24d: {  	v1 =	vadd.f32 v1, v4;
	v49 =	vmul.f32 v44, v15;
	v2 =	vmul.f32 v44, v11;
	[tilespmem:s29+$0x12580] =	vst v21  }
0x24e: {  	v50 =	vadd.f32 v48, v63;
	v51 =	vmul.f32 v44, v13;
	v43 =	vsub.f32 $1.500000000e+00, v40;
	[tilespmem:s29+$0x12590] =	vst v0  }
0x24f: {  	v16 =	vadd.f32 v16, v5;
	v3 =	vmul.f32 v23, v18;
	v2 =	vmul.f32 v2, v62;
	[tilespmem:s29+$0x125A0] =	vst v1  }
0x250: {  	v53 =	vadd.f32 v52, v6;
	v45 =	vmul.f32 v43, v26;
	[tilespmem:s29+$0x12400] =	vst v50;
	v0 =	vmul.f32 v49, v59  }
0x251: {  	v14 =	vmul.f32 v44, v14;
	[tilespmem:s29+$0x12410] =	vst v16;
	v3 =	vmul.f32 v3, v61;
	v2 =	vadd.f32 v2, v6  }
0x252: {  	v1 =	vmul.f32 v51, v60;
	[tilespmem:s29+$0x12430] =	vst v53;
	v0 =	vadd.f32 v0, v63;
	v8 =	vmul.f32 v45, v8  }
0x253: {  	v54 =	vmul.f32 v14, v61;
	v55 =	vmul.f32 v45, v12;
	v3 =	vadd.f32 v3, v4;
	[tilespmem:s29+$0x124B0] =	vst v2  }
0x254: {  	v1 =	vadd.f32 v1, v5;
	v10 =	vmul.f32 v45, v10;
	[tilespmem:s29+$0x12480] =	vst v0;
	v56 =	vmul.f32 v8, v60  }
0x255: {  	v0 =	vmul.f32 v55, v61;
	[tilespmem:s29+$0x12420] =	vst v3;
	v3 =	vmul.f32 v45, v9;
	v9 =	vadd.f32 v54, v4  }
0x256: {  	[tilespmem:s29+$0x12490] =	vst v1;
	v57 =	vmul.f32 v10, v62;
	v1 =	vadd.f32 v56, v5  }
0x257: {  	p0 =	seq.s32 s24, $0x63;
	v0 =	vadd.f32 v0, v4;
	v3 =	vmul.f32 v3, v59;
	[tilespmem:s29+$0x124A0] =	vst v9  }
.Ltmp7:
0x258: {  	s31 =	sadd.s32 s25, s9;
	v58 =	vadd.f32 v57, v6;
	[tilespmem:s29+$0x12510] =	vst v1;
	(pc) =	sbr.rel @p0 .LBB2_12-.Ltmp7, $4  }
0x259: {  	s0 =	sshll.u32 s31, $0xB;
	[tilespmem:s29+$0x12520] =	vst v0;
	v3 =	vadd.f32 v3, v63  }
0x25a: {  	s0 =	sand.u32 $0x1FFFF800, s0;
	[tilespmem:s29+$0x12530] =	vst v58  }
0x25b: {  	s0 =	sadd.s32 s7, s0;
	[tilespmem:s29+$0x12500] =	vst v3  }
0x25c: {  	[hbm4b:s0+s4] =	stream.linear.scatter [tilespmem:s21], [sflag:$0x4], $0x4000, $0x38;
	[tilespmem:$0x16480] =	vst v63  }
.Ltmp8:
0x25d: {  	(pc) =	sbr.rel .LBB2_2-.Ltmp8, $4  }
0x25e: {  	s0 =	sshll.u32 s24, $0x8  }
0x25f: {  	s0 =	sand.u32 $0x3FFFFF00, s0  }
0x260: {  	s24 =	sadd.s32 $0x1, s24;
	s0 =	sadd.s32 $0x180, s0  }
0x261: {  	[tilespmem:s16], [sflag:$0x2] =	stream.indirect.gather [hbm4b:s5+s14], $0x80, s0, s14, $0xb8;
	[tilespmem:$0x16480] =	vst v63  }
.LBB2_13:
0x262: {  	_ =	sfence.sel $0x180000  }
0x263: {  	[bflag:$0x0] =	sbarrier.arrive $0xFFFF  }
0x264: {  	_ =	strace $0x90000047  }
0x265: {  	s0 =	stileid.u32;
	[bflag:$0x2] =	sbarrier.arrive $0xFFFF  }
0x266: {  	p0 =	sne.s32 s0, $0x0;
	s0 =	rddreg [dreg:$0x4]  }
0x267: {  	s0 =	sadd.s32 @!p0 $0x100000, s0  }
0x268: {  	[sflag:s0] =	ssyncadd.tile.s32 @!p0 $0x1;
	_ =	shalt  }
.Lfunc_end2:
_tile_overlayer_lowered:
.L_overlay_start_2:
0x269: {  	(tag) =	ssettag $0x2  }
0x26a: {  	s0 =	rddreg [dreg:$0x0];
	s2 =	stileid.u32  }
0x26b: {  	s1 =	rddreg [dreg:$0x1];
	p0 =	sne.s32 s2, $0x0  }
0x26c: {  	s3 =	rddreg [dreg:$0x2];
	[bflag:$0x3] =	sbarrier.arrive $0xFFFF;
	s2 =	simm.s32 @!p0 $0x1C05  }
0x26d: {  	[timem:s3], [sflag:s2] =	dma.local @!p0 [hbm:s0], s1  }
0x26e: {  	s0 =	simm.s32 @!p0 $0x5  }
0x26f: {  	_ =	swait.ge @!p0 [sflag:s0], s1  }
0x270: {  	s1 =	ssub.s32 @!p0 $0x0, s1;
	[sflag:s0] =	ssyncset.done @!p0 $0x0  }
0x271: {  	[sflag:s0] =	ssyncadd.s32 @!p0 s1  }
0x272: {  	[bflag:$0x3] =	sbarrier.arrive $0xFFFF  }
0x273: {  	_ =	shalt  }

// kernel: sparse-core-data-format-call.cloned.1.call-start
scs
called_computation_lowered:
.L_overlay_start_0:
0x0: {  	s2 =	sld [smem:$0x3FD9]  }
0x1: {  	s3 =	sld [smem:$0x3FFE];
	_ =	sdelay $0x1  }
0x2: {  	s1 =	srdreg.scid  }
0x3: {  	s0 =	sand.u32 $0x1, s1  }
0x4: {  	s18 =	sshll.u32 s0, $0xA;
	s2 =	sadd.s32 s3, s2  }
0x5: {  	s2 =	sadd.s32 s2, s18  }
0x6: {  	[smem:$0x3FC4] =	sst s2  }
0x7: {  	_ = 	snop  }
0x8: {  	s2 =	sld [smem:$0x3FD0];
	(tm) =	ssettm $0x1  }
0x9: {  	s19 =	sld [smem:$0x3FFB];
	_ =	sdelay $0x3  }
0xa: {  	_ =	strace s19  }
0xb: {  	s3 =	sld [smem:$0x3FFC];
	_ =	sdelay $0x3  }
0xc: {  	_ =	strace s3  }
0xd: {  	s3 =	sld [smem:$0x3FFD];
	_ =	sdelay $0x3  }
0xe: {  	_ =	strace s3  }
0xf: {  	_ =	strace $0x8FFFFFFF  }
0x10: {  	s20 =	sld [smem:$0x3FDB];
	_ =	sdelay $0x1  }
0x11: {  	s4 =	simm.s32 $_scs_section_size  }
0x12: {  	s5 =	simm.s32 $_size__tile_overlayer_lowered;
	s6 =	simm.s32 $_tile_overlayer_lowered  }
0x13: {  	s23 =	simm.s32 $0x1BFF;
	s22 =	sshll.u32 s6, $0x1;
	s3 =	sadd.s32 s4, s20  }
0x14: {  	s7 =	simm.s32 $0x0;
	s21 =	sshll.u32 s5, $0x1;
	s5 =	sadd.s32 s22, s3  }
0x15: {  	[timem:s7], [sflag:s23] =	dma.local [hbm:s5], s21  }
0x16: {  	_ =	swait.ge [sflag:s23], s21  }
0x17: {  	s4 =	ssub.s32 $0x0, s21;
	[sflag:s23] =	ssyncset.done $0x0  }
0x18: {  	[sflag:s23] =	ssyncadd.s32 s4;
	_ =	sdelay $0x1  }
0x19: {  	s24 =	simm.s32 $0x1B8B  }
0x1a: {  	_ =	swait.ge [sflag:s24], $0x1  }
0x1b: {  	[sflag:s24] =	ssyncset.done $0x0  }
0x1c: {  	s26 =	simm.s32 $0x1B8E;
	s25 =	sld [smem:$0x3FFE];
	[sflag:s24] =	ssyncadd.s32 $0xFFFFFFFF  }
0x1d: {  	s27 =	simm.s32 $execute0_lowered;
	[smem:$0x3FD2] =	sst s26  }
0x1e: {  	s5 =	sshll.u32 s27, $0x1;
	_ =	strace $0x80000049;
	[dreg:$0x1] =	wrdreg $0xFFFFFFFF  }
0x1f: {  	s28 =	simm.s32 $_size_execute0_lowered;
	s3 =	sadd.s32 s3, s5;
	[dreg:$0x0] =	wrdreg $0x0  }
0x20: {  	s5 =	sshll.u32 s28, $0x1;
	[dreg:$0x2] =	wrdreg s3  }
0x21: {  	[dreg:$0x3] =	wrdreg s5  }
0x22: {  	[dreg:$0x4] =	wrdreg $0xC0  }
0x23: {  	_ =	task [dreg:s7], $0x5FFFF  }
0x24: {  	[dreg:$0x1] =	wrdreg $0xFFFFFFFF  }
0x25: {  	[dreg:$0x0] =	wrdreg $0x60  }
0x26: {  	[dreg:$0x2] =	wrdreg s25  }
0x27: {  	[dreg:$0x3] =	wrdreg s2  }
0x28: {  	[dreg:$0x4] =	wrdreg $0x9  }
0x29: {  	_ =	task.clear_ibuf [dreg:s7], $0x5FFFF;
	_ =	strace $0x90000049  }
0x2a: {  	s29 =	simm.s32 $0x9;
	_ =	strace $0x8000004B  }
0x2b: {  	_ =	swait.ge [sflag:s29], $0x1  }
0x2c: {  	[sflag:s29] =	ssyncadd.s32 $0xFFFFFFFF  }
0x2d: {  	_ =	strace $0x9000004B  }
0x2e: {  	_ =	sfence  }
0x2f: {  	s30 =	sld [smem:$0x0];
	_ =	sdelay $0x2  }
0x30: {  	s31 =	sshll.u32 s1, $0xD;
	s1 =	sshrl.u32 s1, $0x2  }
0x31: {  	s3 =	sand.u32 $0x4000, s31;
	s1 =	sadd.s32 s1, s30  }
0x32: {  	s0 =	sor.u32 s3, s0;
	s1 =	sshll.u32 s1, $0x11  }
0x33: {  	s0 =	sor.u32 s1, s0  }
0x34: {  	s0 =	sadd.s32 $0x8F2B, s0  }
0x35: {  	[sflag:s0] =	ssyncadd.remote.s32 $0x1  }
0x36: {  	_ =	sfence.sel $0xFFFF  }
0x37: {  	[dreg:$0x0] =	wrdreg $0xFFFFFFFF;
	(pc) =	sbr.abs _section_cstart, $3  }
0x38: {  	[dreg:$0x1] =	wrdreg $0xFFFFFFFF  }
0x39: {  	_ =	task.clear_ibuf [dreg:s7], $0x2FFFF;
	_ =	strace $0x9FFFFFFF  }
0x3a: {  	(tm) =	ssettm $0x7FFFFFFF  }
0x3b: {  	_ =	shalt  }
tec
execute0_lowered:
.L_overlay_start_1:
0x0: {  	(tag) =	ssettag $0x1  }
0x1: {  	s0 =	srdreg.scid  }
0x2: {  	s1 =	sshll.u32 s0, $0x4  }
0x3: {  	s0 =	stileid.u32;
	s1 =	sand.u32 $0x10, s1  }
0x4: {  	s1 =	sor.u32 s0, s1  }
0x5: {  	s6 =	rddreg [dreg:$0x0];
	s4 =	simm.s32 $0x1;
	s2 =	sshll.u32 s1, $0x7  }
0x6: {  	s7 =	simm.s32 $0x2;
	s12 =	simm.s32 $0x0;
	s1 =	ssub.s32 $0x1000, s2  }
0x7: {  	s8 =	simm.s32 $0x8000;
	s13 =	simm.s32 $0x0;
	s3 =	sand.u32 $0xF80, s1  }
0x8: {  	s9 =	simm.s32 $0x0;
	s5 =	sshrl.u32 s1, $0xC;
	p0 =	sne.s32 s3, $0x0  }
.Ltmp0:
0x9: {  	s1 =	rddreg [dreg:$0x2];
	s4 =	simm.s32 @!p0 $0x0;
	(pc) =	sbr.rel .LBB1_1-.Ltmp0, $4  }
0xa: {  	s11 =	simm.s32 $0x0;
	s3 =	rddreg [dreg:$0x1];
	s5 =	sadd.s32 s4, s5  }
0xb: {  	_ =	strace $0x8000004A;
	s4 =	simm.s32 $0x1;
	s5 =	smul.u32 $0xC8, s5  }
0xc: {  	s6 =	sadd.s32 $0xA00, s6;
	s10 =	smov.u32 s2;
	[sflag:s4] =	ssyncpa.u1 $0x0  }
0xd: {  	p0 =	por $0x0, $0x0;
	[sflag:s7] =	ssyncpa.u1 $0x0;
	s7 =	sor.u32 $0x1, s5  }
.LBB1_4:
0xe: {  	s16 =	sshll.u32 s13, $0x3;
	s17 =	sand.u32 $0x78, s13  }
0xf: {  	s30 =	sand.u32 $0x7E00, s13;
	s12 =	sshll.u32 s12, $0xF;
	s16 =	sand.u32 $0xC00, s16  }
0x10: {  	[tilespmem:s15+$0x810 ss:$0x81] =	vst.msk $0xffff, v2;
	s31 =	sand.u32 $0x7, s13;
	s16 =	sor.u32 s17, s16;
	s17 =	sadd.s32 s3, s30  }
0x11: {  	[tilespmem:s15+$0x1020 ss:$0x81] =	vst.msk $0xffff, v0;
	s13 =	sshll.u32 s31, $0x12;
	s12 =	sadd.s32 s12, s17;
	s16 =	sshrl.u32 s16, $0x3  }
0x12: {  	[tilespmem:s15+$0x0 ss:$0x81] =	vst.msk $0xffff, v1;
	s13 =	sor.u32 $0x400, s13;
	s12 =	sadd.s32 s16, s12  }
0x13: {  	[hbm4b:s12+s13] =	stream.strided.scatter [tilespmem:s14], [sflag:$0x2], $0x2000, s8, s13, $0x20;
	[tilespmem:$0x8080] =	vst v63  }
.LBB1_5:
0x14: {  	s14 =	sadd.s32 $0x1, s9  }
0x15: {  	s12 =	sadd.s32 $0x1000, s10;
	s16 =	smov.u32 s10;
	p2 =	sgt.s32 s14, $0xC7  }
0x16: {  	s16 =	smov.u32 @p2 s12  }
0x17: {  	s14 =	simm.s32 @p2 $0x0;
	p2 =	sgt.s32 s16, $0xFFF  }
0x18: {  	s16 =	smov.u32 @p2 s2;
	p2 =	sne.s32 s11, s7  }
.Ltmp1:
0x19: {  	p1 =	slt.u32 s11, $0x2;
	(pc) =	sbr.rel @!p2 .LBB1_6-.Ltmp1, $4  }
0x1a: {  	s15 =	simm.s32 @!p1 $0x2  }
0x1b: {  	s13 =	smov.u32 s10;
	p0 =	por !p0, !p0;
	_ =	swait.ge @!p1 [sflag:s15], $0x2000  }
0x1c: {  	s12 =	smov.u32 s9;
	[sflag:s15] =	ssyncset.done @!p1 $0x0;
	s9 =	smov.u32 s14  }
0x1d: {  	s11 =	sadd.s32 $0x1, s11;
	[sflag:s15] =	ssyncadd.s32 @!p1 $0xFFFFE000;
	s10 =	smov.u32 s16  }
.LBB1_1:
0x1e: {  	p1 =	sge.u32 s11, s5  }
0x1f: {  	s14 =	sand.u32 @!p1 $0x1FFFFFF, s9  }
0x20: {  	s15 =	smulhi.u32 @!p1 $0x147AE15, s14;
	_ =	sdelay $0x1  }
0x21: {  	s15 =	smul.u32 @!p1 $0xC8, s15  }
0x22: {  	s16 =	sxor.u32 @!p1 $0xFFFFFFFF, s11;
	s17 =	smul.u32 @!p1 $0xC80, s10  }
0x23: {  	s31 =	sadd.s32 $0xFFFFFFFF, s11;
	s16 =	sshll.u32 @!p1 s16, $0xD;
	s14 =	ssub.s32 @!p1 s14, s15  }
0x24: {  	s15 =	sand.u32 @!p1 $0x2000, s16;
	s16 =	sadd.s32 @!p1 s6, s17;
	s14 =	sshll.u32 @!p1 s14, $0x4  }
0x25: {  	s17 =	simm.s32 @!p1 $0x6400;
	s14 =	sadd.s32 @!p1 s14, s16;
	s16 =	simm.s32 @!p1 $0x40  }
0x26: {  	[tilespmem:s15], [sflag:$0x1] =	stream.strided.gather @!p1 [hbm4b:s14+s16], $0x2000, s17, s16, $0x38;
	[tilespmem:$0x8080] =	vst v63  }
0x27: {  	p1 =	sge.u32 s31, s5  }
.Ltmp2:
0x28: {  	_ = 	snop;
	(pc) =	sbr.rel @p1 .LBB1_5-.Ltmp2, $1  }
0x29: {  	_ =	sdelay $0x3  }
0x2a: {  	s14 =	simm.s32 $0x1  }
0x2b: {  	_ =	swait.ge [sflag:s4], $0x2000;
	s14 =	simm.s32 @!p0 $0x0  }
0x2c: {  	[sflag:s4] =	ssyncset.done $0x0;
	s15 =	sshll.u32 s14, $0xD  }
0x2d: {  	[sflag:s4] =	ssyncadd.s32 $0xFFFFE000;
	s18 =	sor.u32 $0x20, s15  }
0x2e: {  	s14 =	smul.u32 $0x8100, s14;
	v3 =	vld [tilespmem:s18+$0x10]  }
0x2f: {  	s30 =	sand.u32 $0x1, s11;
	v2 =	vld [tilespmem:s18+$0xFFFFFFF0]  }
0x30: {  	s15 =	smul.u32 $0x8100, s30;
	s14 =	sshrl.u32 s14, $0x2;
	v0 =	vld [tilespmem:s18+$0x0]  }
0x31: {  	v1 =	vld [tilespmem:s18+$0xFFFFFFE0];
	s16 =	sor.u32 $0x4000, s14  }
0x32: {  	s31 =	sshrl.u32 s15, $0x2;
	s15 =	sadd.s32 $0x0, s16  }
0x33: {  	s17 =	simm.s32 $0x4;
	s18 =	sadd.s32 $0x40, s18;
	s14 =	sor.u32 $0x4000, s31;
	[tilespmem:s15+$0x1830 ss:$0x81] =	vst.msk $0xffff, v3  }
.LBB1_3:
0x34: {  	v3 =	vld [tilespmem:s18+$0x10];
	p1 =	sne.s32 s17, $0x1FC;
	[tilespmem:s15+$0x810 ss:$0x81] =	vst.msk $0xffff, v2;
	s19 =	smov.u32 s17;
	s17 =	sadd.s32 $0x4, s17  }
.Ltmp3:
0x35: {  	v2 =	vld [tilespmem:s18+$0xFFFFFFF0];
	[tilespmem:s15+$0x1020 ss:$0x81] =	vst.msk $0xffff, v0;
	(pc) =	sbr.rel @p1 .LBB1_3-.Ltmp3, $4  }
0x36: {  	v0 =	vld [tilespmem:s18+$0x0];
	[tilespmem:s15+$0x0 ss:$0x81] =	vst.msk $0xffff, v1  }
0x37: {  	s15 =	sshra.s32 s19, $0x2;
	v1 =	vld [tilespmem:s18+$0xFFFFFFE0]  }
0x38: {  	s15 =	sadd.s32 s15, s16  }
0x39: {  	s18 =	sadd.s32 $0x40, s18;
	[tilespmem:s15+$0x1830 ss:$0x81] =	vst.msk $0xffff, v3  }
.Ltmp4:
0x3a: {  	_ = 	snop;
	(pc) =	sbr.rel .LBB1_4-.Ltmp4, $1  }
0x3b: {  	_ =	sdelay $0x3  }
.LBB1_6:
0x3c: {  	_ =	sfence.sel $0x180000  }
0x3d: {  	s2 =	simm.s32 $0x1;
	[bflag:$0x0] =	sbarrier.arrive $0xFFFF  }
0x3e: {  	s31 =	simm.s32 $0x2;
	[sflag:s2] =	ssyncpa.u1 $0x1  }
0x3f: {  	[sflag:s31] =	ssyncpa.u1 $0x1  }
0x40: {  	p0 =	sne.s32 s0, $0x0;
	_ =	strace $0x9000004A  }
0x41: {  	s0 =	sadd.s32 @!p0 $0x100000, s1;
	[bflag:$0x2] =	sbarrier.arrive $0xFFFF  }
0x42: {  	[sflag:s0] =	ssyncadd.tile.s32 @!p0 $0x1;
	_ =	shalt  }
.Lfunc_end1:
_tile_overlayer_lowered:
.L_overlay_start_2:
0x43: {  	(tag) =	ssettag $0x2  }
0x44: {  	s0 =	rddreg [dreg:$0x0];
	s2 =	stileid.u32  }
0x45: {  	s1 =	rddreg [dreg:$0x1];
	p0 =	sne.s32 s2, $0x0  }
0x46: {  	s3 =	rddreg [dreg:$0x2];
	[bflag:$0x3] =	sbarrier.arrive $0xFFFF;
	s2 =	simm.s32 @!p0 $0x1C01  }
0x47: {  	[timem:s3], [sflag:s2] =	dma.local @!p0 [hbm:s0], s1  }
0x48: {  	s0 =	simm.s32 @!p0 $0x1  }
0x49: {  	_ =	swait.ge @!p0 [sflag:s0], s1  }
0x4a: {  	s1 =	ssub.s32 @!p0 $0x0, s1;
	[sflag:s0] =	ssyncset.done @!p0 $0x0  }
0x4b: {  	[sflag:s0] =	ssyncadd.s32 @!p0 s1  }
0x4c: {  	[bflag:$0x3] =	sbarrier.arrive $0xFFFF  }
0x4d: {  	_ =	shalt  }

</sc_bundles>
